<compile_context>
chip_gen: v7x
topology: tpu7x:2x2x1
jax: 0.10.2.dev20260603
libtpu: 0.0.44.dev20260713+nightly
codegen_flags: <defaults>
</compile_context>

<pallas_src>
import functools

import jax
import jax.numpy as jnp
from jax import lax
from jax.experimental import pallas as pl
from jax.experimental.pallas import tpu as pltpu
from jax.experimental.pallas import tpu_sc as plsc

_NC = 2
_NS = 16
_C = 128
_G = 16


def _make_agg(n, d, n_chunks):
    h = d // 2
    n_groups = n_chunks // _G
    rows_per_tile = 8 * (n // (8 * _NS))
    tail_rows = n - rows_per_tile * _NS
    mesh = plsc.VectorSubcoreMesh(core_axis_name="c", subcore_axis_name="s")

    @functools.partial(
        pl.kernel,
        out_type=jax.ShapeDtypeStruct((4, n, h), jnp.float32),
        mesh=mesh,
        scratch_types=[
            pltpu.VMEM_SHARED((n, h), jnp.float32),
            pltpu.VMEM_SHARED((n + 8, h), jnp.float32),
            pltpu.VMEM((2, _G, _C), jnp.int32),
            pltpu.VMEM((2, _G, _C), jnp.int32),
            pltpu.VMEM((2, _C, h), jnp.float32),
            pltpu.SemaphoreType.DMA,
            pltpu.SemaphoreType.DMA,
            pltpu.SemaphoreType.DMA,
        ],
    )
    def agg_kernel(xh_hbm, row_hbm, col_hbm, out_hbm, table, acc,
                   ridx, cidx, gbuf, gsem, ssem, isem):
        c = lax.axis_index("c")
        s = lax.axis_index("s")
        r0 = s * rows_per_tile

        def my_slices(src, dst):
            pltpu.sync_copy(src.at[pl.ds(r0, rows_per_tile)],
                            dst.at[pl.ds(r0, rows_per_tile)])
            if tail_rows:
                @pl.when(s == _NS - 1)
                def _tail():
                    t0 = rows_per_tile * _NS
                    pltpu.sync_copy(src.at[pl.ds(t0, tail_rows)],
                                    dst.at[pl.ds(t0, tail_rows)])

        def one_pass(p, pass_carry):
            t = 2 * c + p
            my_slices(xh_hbm.at[t], table)
            my_slices(xh_hbm.at[t], acc)
            plsc.subcore_barrier()

            def idx_load(g, buf):
                pltpu.async_copy(
                    row_hbm.at[s].at[pl.ds(g * _G, _G)], ridx.at[buf], isem)
                pltpu.async_copy(
                    col_hbm.at[s].at[pl.ds(g * _G, _G)], cidx.at[buf], isem)

            idx_load(0, 0)

            def group(g, carry):
                gb = lax.rem(g, 2)
                gbm1 = lax.rem(g + 1, 2)
                pltpu.make_async_copy(
                    row_hbm.at[s].at[pl.ds(g * _G, _G)], ridx.at[gb],
                    isem).wait()
                pltpu.make_async_copy(
                    col_hbm.at[s].at[pl.ds(g * _G, _G)], cidx.at[gb],
                    isem).wait()
                for j in range(_G):
                    slot = j % 2
                    if j >= 2:
                        pltpu.make_async_copy(
                            gbuf.at[slot], acc.at[cidx.at[gb, j - 2]],
                            ssem).wait()
                    else:
                        @pl.when(g > 0)
                        def _wait_prev():
                            pltpu.make_async_copy(
                                gbuf.at[slot],
                                acc.at[cidx.at[gbm1, _G - 2 + j]],
                                ssem).wait()
                    pltpu.async_copy(
                        table.at[ridx.at[gb, j]], gbuf.at[slot], gsem)
                    if j >= 1:
                        pltpu.make_async_copy(
                            table.at[ridx.at[gb, j - 1]],
                            gbuf.at[(j - 1) % 2], gsem).wait()
                        pltpu.async_copy(
                            gbuf.at[(j - 1) % 2], acc.at[cidx.at[gb, j - 1]],
                            ssem, add=True)
                    else:
                        @pl.when(g > 0)
                        def _scatter_prev():
                            pltpu.make_async_copy(
                                table.at[ridx.at[gbm1, _G - 1]],
                                gbuf.at[(_G - 1) % 2], gsem).wait()
                            pltpu.async_copy(
                                gbuf.at[(_G - 1) % 2],
                                acc.at[cidx.at[gbm1, _G - 1]], ssem,
                                add=True)
                    if j == 4:
                        @pl.when(g + 1 < n_groups)
                        def _prefetch():
                            idx_load(g + 1, gbm1)
                return carry

            lax.fori_loop(0, n_groups, group, 0)
            gl = (n_groups - 1) % 2
            pltpu.make_async_copy(
                table.at[ridx.at[gl, _G - 1]], gbuf.at[(_G - 1) % 2],
                gsem).wait()
            pltpu.async_copy(
                gbuf.at[(_G - 1) % 2], acc.at[cidx.at[gl, _G - 1]], ssem,
                add=True)
            for jj in range(_G - 2, _G):
                pltpu.make_async_copy(
                    gbuf.at[jj % 2], acc.at[cidx.at[gl, jj]], ssem).wait()
            plsc.subcore_barrier()
            my_slices(acc, out_hbm.at[t])
            plsc.subcore_barrier()
            return pass_carry

        lax.fori_loop(0, 2, one_pass, 0)

    return agg_kernel


def _mlp_body(ha_ref, hb_ref, x_ref, eps_ref, w1_ref, b1_ref, w2_ref, b2_ref,
              out_ref):
    hpre = jnp.concatenate([ha_ref[0], hb_ref[0]], axis=1)
    h = hpre + eps_ref[0, 0] * x_ref[...]
    a = jnp.dot(h, w1_ref[0], preferred_element_type=jnp.float32) + b1_ref[0, 0]
    a = jnp.maximum(a, 0.0)
    out_ref[...] = jnp.dot(a, w2_ref[0], preferred_element_type=jnp.float32) + b2_ref[0, 0]


def kernel(x_real, x_imag, edge_index, eps, W1r, b1r, W2r, b2r, W1i, b1i, W2i, b2i):
    n, d = x_real.shape
    e = edge_index.shape[1]
    hd = d // 2
    per_tile = e // _NS
    chunk_edges = _C * _G
    per_tile_pad = ((per_tile + chunk_edges - 1) // chunk_edges) * chunk_edges
    n_chunks = per_tile_pad // _C
    pad = per_tile_pad - per_tile

    row = edge_index[0].astype(jnp.int32)
    col = edge_index[1].astype(jnp.int32)
    xh = jnp.stack([x_real[:, :hd], x_real[:, hd:], x_imag[:, :hd],
                    x_imag[:, hd:]])
    row3 = jnp.pad(row.reshape(_NS, per_tile), ((0, 0), (0, pad)))
    col3 = jnp.pad(col.reshape(_NS, per_tile), ((0, 0), (0, pad)),
                   constant_values=n)
    row3 = row3.reshape(_NS, n_chunks, _C)
    col3 = col3.reshape(_NS, n_chunks, _C)

    hpre_h = _make_agg(n, d, n_chunks)(xh, row3, col3)
    x_cat = jnp.concatenate([x_real, x_imag], axis=0)

    blk = 2000
    half = n // blk
    w1s = jnp.stack([W1r.T, W1i.T])
    b1s = jnp.stack([b1r, b1i]).reshape(2, 1, d)
    w2s = jnp.stack([W2r.T, W2i.T])
    b2s = jnp.stack([b2r, b2i]).reshape(2, 1, d)
    eps_b = jnp.broadcast_to(jnp.reshape(eps, (1, 1)), (8, d))

    out_cat = pl.pallas_call(
        _mlp_body,
        grid=(2, half),
        in_specs=[
            pl.BlockSpec((1, blk, hd), lambda r, i: (2 * r, i, 0)),
            pl.BlockSpec((1, blk, hd), lambda r, i: (2 * r + 1, i, 0)),
            pl.BlockSpec((blk, d), lambda r, i: (r * half + i, 0)),
            pl.BlockSpec((8, d), lambda r, i: (0, 0)),
            pl.BlockSpec((1, d, d), lambda r, i: (r, 0, 0)),
            pl.BlockSpec((1, 1, d), lambda r, i: (r, 0, 0)),
            pl.BlockSpec((1, d, d), lambda r, i: (r, 0, 0)),
            pl.BlockSpec((1, 1, d), lambda r, i: (r, 0, 0)),
        ],
        out_specs=pl.BlockSpec((blk, d), lambda r, i: (r * half + i, 0)),
        out_shape=jax.ShapeDtypeStruct((2 * n, d), jnp.float32),
    )(hpre_h, hpre_h, x_cat, eps_b, w1s, b1s, w2s, b2s)

    return out_cat[:n], out_cat[n:]

# --- scband reference (transcript-rebuilt; emitter-appended) ---
"""Pipeline reference for scband-complex-ginconv-layer-30090540876436 (READ-ONLY COPY).

The authoritative reference and input builder live on the scoring server;
editing this copy changes nothing except your own understanding.
"""

import jax, jax.numpy as jnp
import numpy as np

N = 10000
E = 320000
D_IN = 128
D_OUT = 128

def setup_inputs(seed: int = 0) -> dict:
    key = jax.random.key(seed)
    ks = jax.random.split(key, 12)
    x_real = jax.random.normal(ks[0], (N, D_IN), dtype=jnp.float32)
    x_imag = jax.random.normal(ks[1], (N, D_IN), dtype=jnp.float32)
    edge_index = jax.random.randint(ks[2], (2, E), 0, N, dtype=jnp.int64 if jax.config.jax_enable_x64 else jnp.int32)
    s = 1.0 / np.sqrt(D_IN)
    s2 = 1.0 / np.sqrt(D_OUT)
    W1r = jax.random.uniform(ks[3], (D_OUT, D_IN), minval=-s, maxval=s, dtype=jnp.float32)
    b1r = jax.random.uniform(ks[4], (D_OUT,), minval=-s, maxval=s, dtype=jnp.float32)
    W2r = jax.random.uniform(ks[5], (D_OUT, D_OUT), minval=-s2, maxval=s2, dtype=jnp.float32)
    b2r = jax.random.uniform(ks[6], (D_OUT,), minval=-s2, maxval=s2, dtype=jnp.float32)
    W1i = jax.random.uniform(ks[7], (D_OUT, D_IN), minval=-s, maxval=s, dtype=jnp.float32)
    b1i = jax.random.uniform(ks[8], (D_OUT,), minval=-s, maxval=s, dtype=jnp.float32)
    W2i = jax.random.uniform(ks[9], (D_OUT, D_OUT), minval=-s2, maxval=s2, dtype=jnp.float32)
    b2i = jax.random.uniform(ks[10], (D_OUT,), minval=-s2, maxval=s2, dtype=jnp.float32)
    eps = jnp.zeros((1,), dtype=jnp.float32)
    return {"x_real": x_real, "x_imag": x_imag, "edge_index": edge_index,
            "eps": eps, "W1r": W1r, "b1r": b1r, "W2r": W2r, "b2r": b2r,
            "W1i": W1i, "b1i": b1i, "W2i": W2i, "b2i": b2i}

def reference(x_real, x_imag, edge_index, eps, W1r, b1r, W2r, b2r, W1i, b1i, W2i, b2i):
    row = edge_index[0]
    col = edge_index[1]
    n = x_real.shape[0]
    # scatter-add: aggregate source features x[row] into destination nodes col
    agg_real = jnp.zeros((n, x_real.shape[1]), dtype=x_real.dtype).at[col].add(x_real[row])
    agg_imag = jnp.zeros((n, x_imag.shape[1]), dtype=x_imag.dtype).at[col].add(x_imag[row])
    out_real = (1.0 + eps) * x_real + agg_real
    out_imag = (1.0 + eps) * x_imag + agg_imag
    out_real = jax.nn.relu(out_real @ W1r.T + b1r)
    out_real = out_real @ W2r.T + b2r
    out_imag = jax.nn.relu(out_imag @ W1i.T + b1i)
    out_imag = out_imag @ W2i.T + b2i
    return (out_real, out_imag)

if __name__ == "__main__":
    import jax
    _d = setup_inputs()
    print(jax.jit(kernel)(*tuple(_d.values())))

</pallas_src>

<mosaic_0001>
#map = affine_map<(d0, d1) -> (0, 0, 0)>
module attributes {stable_mosaic.version = 14 : i64} {
  func.func @agg_kernel(%arg0: i32, %arg1: i32, %arg2: memref<4x10000x64xf32, #tpu.memory_space<hbm>>, %arg3: memref<16x160x128xi32, #tpu.memory_space<hbm>>, %arg4: memref<16x160x128xi32, #tpu.memory_space<hbm>>, %arg5: memref<4x10000x64xf32, #tpu.memory_space<hbm>>, %arg6: memref<10000x64xf32, #tpu.memory_space<vmem_shared>>, %arg7: memref<10008x64xf32, #tpu.memory_space<vmem_shared>>, %arg8: memref<2x16x128xi32, #tpu.memory_space<vmem>>, %arg9: memref<2x16x128xi32, #tpu.memory_space<vmem>>, %arg10: memref<2x128x64xf32, #tpu.memory_space<vmem>>, %arg11: memref<!tpu.dma_semaphore, #tpu.memory_space<semaphore_mem>>, %arg12: memref<!tpu.dma_semaphore, #tpu.memory_space<semaphore_mem>>, %arg13: memref<!tpu.dma_semaphore, #tpu.memory_space<semaphore_mem>>) attributes {dimension_semantics = [#tpu.dimension_semantics<core_parallel>, #tpu.dimension_semantics<subcore_parallel>], iteration_bounds = array<i64: 2, 16>, scalar_prefetch = 0 : i64, scratch_operands = 8 : i64, tpu.core_type = #tpu.core_type<sc_vector_subcore>, window_params = [{transform_indices = #map}, {transform_indices = #map}, {transform_indices = #map}, {transform_indices = #map}]} {
    %mul3A = arith.constant 624 : i32
    %mul3A_0 = arith.muli %arg1, %mul3A : i32
    %scan3A = arith.constant 0 : i32
    %scan3A_1 = arith.constant 0 : i32
    %scan3A_2 = arith.constant 2 : i32
    %scan3A_3 = arith.addi %scan3A_1, %scan3A_2 : i32
    %scan3A_4 = arith.constant 1 : i32
    scf.for %scan3A_6 = %scan3A_1 to %scan3A_3 step %scan3A_4  : i32 {
      %mul3A_7 = arith.constant 2 : i32
      %mul3A_8 = arith.muli %mul3A_7, %arg0 : i32
      %add3A = arith.addi %mul3A_8, %scan3A_6 : i32
      "tpu.region"() ({
        %run_scoped3A = tpu.sem_alloc : memref<!tpu.dma_semaphore, #tpu.memory_space<semaphore_mem>>
        %dma_start3A_125 = arith.constant 0 : i32
        %dma_start3A_126 = tpu.memref_slice %arg6[%mul3A_0, %dma_start3A_125] : memref<10000x64xf32, #tpu.memory_space<vmem_shared>> -> memref<624x64xf32, #tpu.memory_space<vmem_shared>>
        %dma_start3A_127 = arith.constant 0 : i32
        %dma_start3A_128 = arith.constant 0 : i32
        %dma_start3A_129 = tpu.memref_slice %arg2[%add3A, %dma_start3A_127, %dma_start3A_128] : memref<4x10000x64xf32, #tpu.memory_space<hbm>> -> memref<1x10000x64xf32, #tpu.memory_space<hbm>>
        %dma_start3A_130 = tpu.memref_squeeze %dma_start3A_129 : memref<1x10000x64xf32, #tpu.memory_space<hbm>> -> memref<10000x64xf32, #tpu.memory_space<hbm>>
        %dma_start3A_131 = arith.constant 0 : i32
        %dma_start3A_132 = tpu.memref_slice %dma_start3A_130[%mul3A_0, %dma_start3A_131] : memref<10000x64xf32, #tpu.memory_space<hbm>> -> memref<624x64xf32, #tpu.memory_space<hbm>>
        tpu.enqueue_dma source(%dma_start3A_132 : memref<624x64xf32, #tpu.memory_space<hbm>>) target(%dma_start3A_126 : memref<624x64xf32, #tpu.memory_space<vmem_shared>>) target_semaphore(%run_scoped3A : memref<!tpu.dma_semaphore, #tpu.memory_space<semaphore_mem>>)
        %dma_wait3A_133 = arith.constant 0 : i32
        %dma_wait3A_134 = tpu.memref_slice %arg6[%mul3A_0, %dma_wait3A_133] : memref<10000x64xf32, #tpu.memory_space<vmem_shared>> -> memref<624x64xf32, #tpu.memory_space<vmem_shared>>
        %dma_wait3A_135 = arith.constant 0 : i32
        %dma_wait3A_136 = arith.constant 0 : i32
        %dma_wait3A_137 = tpu.memref_slice %arg2[%add3A, %dma_wait3A_135, %dma_wait3A_136] : memref<4x10000x64xf32, #tpu.memory_space<hbm>> -> memref<1x10000x64xf32, #tpu.memory_space<hbm>>
        %dma_wait3A_138 = tpu.memref_squeeze %dma_wait3A_137 : memref<1x10000x64xf32, #tpu.memory_space<hbm>> -> memref<10000x64xf32, #tpu.memory_space<hbm>>
        %dma_wait3A_139 = arith.constant 0 : i32
        %dma_wait3A_140 = tpu.memref_slice %dma_wait3A_138[%mul3A_0, %dma_wait3A_139] : memref<10000x64xf32, #tpu.memory_space<hbm>> -> memref<624x64xf32, #tpu.memory_space<hbm>>
        tpu.wait_dma2 semaphore(%run_scoped3A : memref<!tpu.dma_semaphore, #tpu.memory_space<semaphore_mem>>) src(%dma_wait3A_140 : memref<624x64xf32, #tpu.memory_space<hbm>>) dst(%dma_wait3A_134 : memref<624x64xf32, #tpu.memory_space<vmem_shared>>)
        tpu.yield
      }) : () -> ()
      %eq3A = arith.constant 15 : i32
      %eq3A_9 = arith.cmpi eq, %arg1, %eq3A : i32
      %convert_element_type3A = arith.extui %eq3A_9 : i1 to i32
      %cond3A = arith.constant 0 : i32
      %cond3A_10 = arith.cmpi ne, %convert_element_type3A, %cond3A : i32
      scf.if %cond3A_10 {
        "tpu.region"() ({
          %run_scoped3A = tpu.sem_alloc : memref<!tpu.dma_semaphore, #tpu.memory_space<semaphore_mem>>
          %dma_start3A_125 = arith.constant 9984 : i32
          %dma_start3A_126 = arith.constant 0 : i32
          %dma_start3A_127 = tpu.memref_slice %arg6[%dma_start3A_125, %dma_start3A_126] : memref<10000x64xf32, #tpu.memory_space<vmem_shared>> -> memref<16x64xf32, #tpu.memory_space<vmem_shared>>
          %dma_start3A_128 = arith.constant 0 : i32
          %dma_start3A_129 = arith.constant 0 : i32
          %dma_start3A_130 = tpu.memref_slice %arg2[%add3A, %dma_start3A_128, %dma_start3A_129] : memref<4x10000x64xf32, #tpu.memory_space<hbm>> -> memref<1x10000x64xf32, #tpu.memory_space<hbm>>
          %dma_start3A_131 = tpu.memref_squeeze %dma_start3A_130 : memref<1x10000x64xf32, #tpu.memory_space<hbm>> -> memref<10000x64xf32, #tpu.memory_space<hbm>>
          %dma_start3A_132 = arith.constant 9984 : i32
          %dma_start3A_133 = arith.constant 0 : i32
          %dma_start3A_134 = tpu.memref_slice %dma_start3A_131[%dma_start3A_132, %dma_start3A_133] : memref<10000x64xf32, #tpu.memory_space<hbm>> -> memref<16x64xf32, #tpu.memory_space<hbm>>
          tpu.enqueue_dma source(%dma_start3A_134 : memref<16x64xf32, #tpu.memory_space<hbm>>) target(%dma_start3A_127 : memref<16x64xf32, #tpu.memory_space<vmem_shared>>) target_semaphore(%run_scoped3A : memref<!tpu.dma_semaphore, #tpu.memory_space<semaphore_mem>>)
          %dma_wait3A_135 = arith.constant 9984 : i32
          %dma_wait3A_136 = arith.constant 0 : i32
          %dma_wait3A_137 = tpu.memref_slice %arg6[%dma_wait3A_135, %dma_wait3A_136] : memref<10000x64xf32, #tpu.memory_space<vmem_shared>> -> memref<16x64xf32, #tpu.memory_space<vmem_shared>>
          %dma_wait3A_138 = arith.constant 0 : i32
          %dma_wait3A_139 = arith.constant 0 : i32
          %dma_wait3A_140 = tpu.memref_slice %arg2[%add3A, %dma_wait3A_138, %dma_wait3A_139] : memref<4x10000x64xf32, #tpu.memory_space<hbm>> -> memref<1x10000x64xf32, #tpu.memory_space<hbm>>
          %dma_wait3A_141 = tpu.memref_squeeze %dma_wait3A_140 : memref<1x10000x64xf32, #tpu.memory_space<hbm>> -> memref<10000x64xf32, #tpu.memory_space<hbm>>
          %dma_wait3A_142 = arith.constant 9984 : i32
          %dma_wait3A_143 = arith.constant 0 : i32
          %dma_wait3A_144 = tpu.memref_slice %dma_wait3A_141[%dma_wait3A_142, %dma_wait3A_143] : memref<10000x64xf32, #tpu.memory_space<hbm>> -> memref<16x64xf32, #tpu.memory_space<hbm>>
          tpu.wait_dma2 semaphore(%run_scoped3A : memref<!tpu.dma_semaphore, #tpu.memory_space<semaphore_mem>>) src(%dma_wait3A_144 : memref<16x64xf32, #tpu.memory_space<hbm>>) dst(%dma_wait3A_137 : memref<16x64xf32, #tpu.memory_space<vmem_shared>>)
          tpu.yield
        }) : () -> ()
      } else {
      }
      "tpu.region"() ({
        %run_scoped3A = tpu.sem_alloc : memref<!tpu.dma_semaphore, #tpu.memory_space<semaphore_mem>>
        %dma_start3A_125 = arith.constant 0 : i32
        %dma_start3A_126 = tpu.memref_slice %arg7[%mul3A_0, %dma_start3A_125] : memref<10008x64xf32, #tpu.memory_space<vmem_shared>> -> memref<624x64xf32, #tpu.memory_space<vmem_shared>>
        %dma_start3A_127 = arith.constant 0 : i32
        %dma_start3A_128 = arith.constant 0 : i32
        %dma_start3A_129 = tpu.memref_slice %arg2[%add3A, %dma_start3A_127, %dma_start3A_128] : memref<4x10000x64xf32, #tpu.memory_space<hbm>> -> memref<1x10000x64xf32, #tpu.memory_space<hbm>>
        %dma_start3A_130 = tpu.memref_squeeze %dma_start3A_129 : memref<1x10000x64xf32, #tpu.memory_space<hbm>> -> memref<10000x64xf32, #tpu.memory_space<hbm>>
        %dma_start3A_131 = arith.constant 0 : i32
        %dma_start3A_132 = tpu.memref_slice %dma_start3A_130[%mul3A_0, %dma_start3A_131] : memref<10000x64xf32, #tpu.memory_space<hbm>> -> memref<624x64xf32, #tpu.memory_space<hbm>>
        tpu.enqueue_dma source(%dma_start3A_132 : memref<624x64xf32, #tpu.memory_space<hbm>>) target(%dma_start3A_126 : memref<624x64xf32, #tpu.memory_space<vmem_shared>>) target_semaphore(%run_scoped3A : memref<!tpu.dma_semaphore, #tpu.memory_space<semaphore_mem>>)
        %dma_wait3A_133 = arith.constant 0 : i32
        %dma_wait3A_134 = tpu.memref_slice %arg7[%mul3A_0, %dma_wait3A_133] : memref<10008x64xf32, #tpu.memory_space<vmem_shared>> -> memref<624x64xf32, #tpu.memory_space<vmem_shared>>
        %dma_wait3A_135 = arith.constant 0 : i32
        %dma_wait3A_136 = arith.constant 0 : i32
        %dma_wait3A_137 = tpu.memref_slice %arg2[%add3A, %dma_wait3A_135, %dma_wait3A_136] : memref<4x10000x64xf32, #tpu.memory_space<hbm>> -> memref<1x10000x64xf32, #tpu.memory_space<hbm>>
        %dma_wait3A_138 = tpu.memref_squeeze %dma_wait3A_137 : memref<1x10000x64xf32, #tpu.memory_space<hbm>> -> memref<10000x64xf32, #tpu.memory_space<hbm>>
        %dma_wait3A_139 = arith.constant 0 : i32
        %dma_wait3A_140 = tpu.memref_slice %dma_wait3A_138[%mul3A_0, %dma_wait3A_139] : memref<10000x64xf32, #tpu.memory_space<hbm>> -> memref<624x64xf32, #tpu.memory_space<hbm>>
        tpu.wait_dma2 semaphore(%run_scoped3A : memref<!tpu.dma_semaphore, #tpu.memory_space<semaphore_mem>>) src(%dma_wait3A_140 : memref<624x64xf32, #tpu.memory_space<hbm>>) dst(%dma_wait3A_134 : memref<624x64xf32, #tpu.memory_space<vmem_shared>>)
        tpu.yield
      }) : () -> ()
      %eq3A_11 = arith.constant 15 : i32
      %eq3A_12 = arith.cmpi eq, %arg1, %eq3A_11 : i32
      %convert_element_type3A_13 = arith.extui %eq3A_12 : i1 to i32
      %cond3A_14 = arith.constant 0 : i32
      %cond3A_15 = arith.cmpi ne, %convert_element_type3A_13, %cond3A_14 : i32
      scf.if %cond3A_15 {
        "tpu.region"() ({
          %run_scoped3A = tpu.sem_alloc : memref<!tpu.dma_semaphore, #tpu.memory_space<semaphore_mem>>
          %dma_start3A_125 = arith.constant 9984 : i32
          %dma_start3A_126 = arith.constant 0 : i32
          %dma_start3A_127 = tpu.memref_slice %arg7[%dma_start3A_125, %dma_start3A_126] : memref<10008x64xf32, #tpu.memory_space<vmem_shared>> -> memref<16x64xf32, #tpu.memory_space<vmem_shared>>
          %dma_start3A_128 = arith.constant 0 : i32
          %dma_start3A_129 = arith.constant 0 : i32
          %dma_start3A_130 = tpu.memref_slice %arg2[%add3A, %dma_start3A_128, %dma_start3A_129] : memref<4x10000x64xf32, #tpu.memory_space<hbm>> -> memref<1x10000x64xf32, #tpu.memory_space<hbm>>
          %dma_start3A_131 = tpu.memref_squeeze %dma_start3A_130 : memref<1x10000x64xf32, #tpu.memory_space<hbm>> -> memref<10000x64xf32, #tpu.memory_space<hbm>>
          %dma_start3A_132 = arith.constant 9984 : i32
          %dma_start3A_133 = arith.constant 0 : i32
          %dma_start3A_134 = tpu.memref_slice %dma_start3A_131[%dma_start3A_132, %dma_start3A_133] : memref<10000x64xf32, #tpu.memory_space<hbm>> -> memref<16x64xf32, #tpu.memory_space<hbm>>
          tpu.enqueue_dma source(%dma_start3A_134 : memref<16x64xf32, #tpu.memory_space<hbm>>) target(%dma_start3A_127 : memref<16x64xf32, #tpu.memory_space<vmem_shared>>) target_semaphore(%run_scoped3A : memref<!tpu.dma_semaphore, #tpu.memory_space<semaphore_mem>>)
          %dma_wait3A_135 = arith.constant 9984 : i32
          %dma_wait3A_136 = arith.constant 0 : i32
          %dma_wait3A_137 = tpu.memref_slice %arg7[%dma_wait3A_135, %dma_wait3A_136] : memref<10008x64xf32, #tpu.memory_space<vmem_shared>> -> memref<16x64xf32, #tpu.memory_space<vmem_shared>>
          %dma_wait3A_138 = arith.constant 0 : i32
          %dma_wait3A_139 = arith.constant 0 : i32
          %dma_wait3A_140 = tpu.memref_slice %arg2[%add3A, %dma_wait3A_138, %dma_wait3A_139] : memref<4x10000x64xf32, #tpu.memory_space<hbm>> -> memref<1x10000x64xf32, #tpu.memory_space<hbm>>
          %dma_wait3A_141 = tpu.memref_squeeze %dma_wait3A_140 : memref<1x10000x64xf32, #tpu.memory_space<hbm>> -> memref<10000x64xf32, #tpu.memory_space<hbm>>
          %dma_wait3A_142 = arith.constant 9984 : i32
          %dma_wait3A_143 = arith.constant 0 : i32
          %dma_wait3A_144 = tpu.memref_slice %dma_wait3A_141[%dma_wait3A_142, %dma_wait3A_143] : memref<10000x64xf32, #tpu.memory_space<hbm>> -> memref<16x64xf32, #tpu.memory_space<hbm>>
          tpu.wait_dma2 semaphore(%run_scoped3A : memref<!tpu.dma_semaphore, #tpu.memory_space<semaphore_mem>>) src(%dma_wait3A_144 : memref<16x64xf32, #tpu.memory_space<hbm>>) dst(%dma_wait3A_137 : memref<16x64xf32, #tpu.memory_space<vmem_shared>>)
          tpu.yield
        }) : () -> ()
      } else {
      }
      %barrier3A = arith.constant 0 : index
      tpu.barrier barrier_id(%barrier3A)
      %dma_start3A = arith.constant 0 : i32
      %dma_start3A_16 = arith.constant 0 : i32
      %dma_start3A_17 = arith.constant 0 : i32
      %dma_start3A_18 = tpu.memref_slice %arg8[%dma_start3A, %dma_start3A_16, %dma_start3A_17] : memref<2x16x128xi32, #tpu.memory_space<vmem>> -> memref<1x16x128xi32, #tpu.memory_space<vmem>>
      %dma_start3A_19 = tpu.memref_squeeze %dma_start3A_18 : memref<1x16x128xi32, #tpu.memory_space<vmem>> -> memref<16x128xi32, #tpu.memory_space<vmem>>
      %dma_start3A_20 = arith.constant 0 : i32
      %dma_start3A_21 = arith.constant 0 : i32
      %dma_start3A_22 = tpu.memref_slice %arg3[%arg1, %dma_start3A_20, %dma_start3A_21] : memref<16x160x128xi32, #tpu.memory_space<hbm>> -> memref<1x160x128xi32, #tpu.memory_space<hbm>>
      %dma_start3A_23 = tpu.memref_squeeze %dma_start3A_22 : memref<1x160x128xi32, #tpu.memory_space<hbm>> -> memref<160x128xi32, #tpu.memory_space<hbm>>
      %dma_start3A_24 = arith.constant 0 : i32
      %dma_start3A_25 = arith.constant 0 : i32
      %dma_start3A_26 = tpu.memref_slice %dma_start3A_23[%dma_start3A_24, %dma_start3A_25] : memref<160x128xi32, #tpu.memory_space<hbm>> -> memref<16x128xi32, #tpu.memory_space<hbm>>
      %dma_start3A_27 = arith.constant 0 : i32
      %dma_start3A_28 = arith.constant 0 : i32
      %dma_start3A_29 = tpu.memref_slice %arg8[%dma_start3A, %dma_start3A_27, %dma_start3A_28] : memref<2x16x128xi32, #tpu.memory_space<vmem>> -> memref<1x16x128xi32, #tpu.memory_space<vmem>>
      %dma_start3A_30 = tpu.memref_squeeze %dma_start3A_29 : memref<1x16x128xi32, #tpu.memory_space<vmem>> -> memref<16x128xi32, #tpu.memory_space<vmem>>
      %dma_start3A_31 = arith.constant 0 : i32
      %dma_start3A_32 = arith.constant 0 : i32
      %dma_start3A_33 = tpu.memref_slice %arg3[%arg1, %dma_start3A_31, %dma_start3A_32] : memref<16x160x128xi32, #tpu.memory_space<hbm>> -> memref<1x160x128xi32, #tpu.memory_space<hbm>>
      %dma_start3A_34 = tpu.memref_squeeze %dma_start3A_33 : memref<1x160x128xi32, #tpu.memory_space<hbm>> -> memref<160x128xi32, #tpu.memory_space<hbm>>
      %dma_start3A_35 = arith.constant 0 : i32
      %dma_start3A_36 = arith.constant 0 : i32
      %dma_start3A_37 = tpu.memref_slice %dma_start3A_34[%dma_start3A_35, %dma_start3A_36] : memref<160x128xi32, #tpu.memory_space<hbm>> -> memref<16x128xi32, #tpu.memory_space<hbm>>
      tpu.enqueue_dma source(%dma_start3A_37 : memref<16x128xi32, #tpu.memory_space<hbm>>) target(%dma_start3A_30 : memref<16x128xi32, #tpu.memory_space<vmem>>) target_semaphore(%arg13 : memref<!tpu.dma_semaphore, #tpu.memory_space<semaphore_mem>>)
      %dma_start3A_38 = arith.constant 0 : i32
      %dma_start3A_39 = arith.constant 0 : i32
      %dma_start3A_40 = arith.constant 0 : i32
      %dma_start3A_41 = tpu.memref_slice %arg9[%dma_start3A_38, %dma_start3A_39, %dma_start3A_40] : memref<2x16x128xi32, #tpu.memory_space<vmem>> -> memref<1x16x128xi32, #tpu.memory_space<vmem>>
      %dma_start3A_42 = tpu.memref_squeeze %dma_start3A_41 : memref<1x16x128xi32, #tpu.memory_space<vmem>> -> memref<16x128xi32, #tpu.memory_space<vmem>>
      %dma_start3A_43 = arith.constant 0 : i32
      %dma_start3A_44 = arith.constant 0 : i32
      %dma_start3A_45 = tpu.memref_slice %arg4[%arg1, %dma_start3A_43, %dma_start3A_44] : memref<16x160x128xi32, #tpu.memory_space<hbm>> -> memref<1x160x128xi32, #tpu.memory_space<hbm>>
      %dma_start3A_46 = tpu.memref_squeeze %dma_start3A_45 : memref<1x160x128xi32, #tpu.memory_space<hbm>> -> memref<160x128xi32, #tpu.memory_space<hbm>>
      %dma_start3A_47 = arith.constant 0 : i32
      %dma_start3A_48 = arith.constant 0 : i32
      %dma_start3A_49 = tpu.memref_slice %dma_start3A_46[%dma_start3A_47, %dma_start3A_48] : memref<160x128xi32, #tpu.memory_space<hbm>> -> memref<16x128xi32, #tpu.memory_space<hbm>>
      %dma_start3A_50 = arith.constant 0 : i32
      %dma_start3A_51 = arith.constant 0 : i32
      %dma_start3A_52 = tpu.memref_slice %arg9[%dma_start3A_38, %dma_start3A_50, %dma_start3A_51] : memref<2x16x128xi32, #tpu.memory_space<vmem>> -> memref<1x16x128xi32, #tpu.memory_space<vmem>>
      %dma_start3A_53 = tpu.memref_squeeze %dma_start3A_52 : memref<1x16x128xi32, #tpu.memory_space<vmem>> -> memref<16x128xi32, #tpu.memory_space<vmem>>
      %dma_start3A_54 = arith.constant 0 : i32
      %dma_start3A_55 = arith.constant 0 : i32
      %dma_start3A_56 = tpu.memref_slice %arg4[%arg1, %dma_start3A_54, %dma_start3A_55] : memref<16x160x128xi32, #tpu.memory_space<hbm>> -> memref<1x160x128xi32, #tpu.memory_space<hbm>>
      %dma_start3A_57 = tpu.memref_squeeze %dma_start3A_56 : memref<1x160x128xi32, #tpu.memory_space<hbm>> -> memref<160x128xi32, #tpu.memory_space<hbm>>
      %dma_start3A_58 = arith.constant 0 : i32
      %dma_start3A_59 = arith.constant 0 : i32
      %dma_start3A_60 = tpu.memref_slice %dma_start3A_57[%dma_start3A_58, %dma_start3A_59] : memref<160x128xi32, #tpu.memory_space<hbm>> -> memref<16x128xi32, #tpu.memory_space<hbm>>
      tpu.enqueue_dma source(%dma_start3A_60 : memref<16x128xi32, #tpu.memory_space<hbm>>) target(%dma_start3A_53 : memref<16x128xi32, #tpu.memory_space<vmem>>) target_semaphore(%arg13 : memref<!tpu.dma_semaphore, #tpu.memory_space<semaphore_mem>>)
      %scan3A_61 = arith.constant 0 : i32
      %scan3A_62 = arith.constant 0 : i32
      %scan3A_63 = arith.constant 10 : i32
      %scan3A_64 = arith.addi %scan3A_62, %scan3A_63 : i32
      %scan3A_65 = arith.constant 1 : i32
      scf.for %scan3A_125 = %scan3A_62 to %scan3A_64 step %scan3A_65  : i32 {
        %rem3A = arith.constant 2 : i32
        %rem3A_126 = arith.remsi %scan3A_125, %rem3A : i32
        %add3A_127 = arith.constant 1 : i32
        %add3A_128 = arith.addi %scan3A_125, %add3A_127 : i32
        %rem3A_129 = arith.constant 2 : i32
        %rem3A_130 = arith.remsi %add3A_128, %rem3A_129 : i32
        %mul3A_131 = arith.constant 16 : i32
        %mul3A_132 = arith.muli %scan3A_125, %mul3A_131 : i32
        %dma_wait3A_133 = arith.constant 0 : i32
        %dma_wait3A_134 = arith.constant 0 : i32
        %dma_wait3A_135 = tpu.memref_slice %arg8[%rem3A_126, %dma_wait3A_133, %dma_wait3A_134] : memref<2x16x128xi32, #tpu.memory_space<vmem>> -> memref<1x16x128xi32, #tpu.memory_space<vmem>>
        %dma_wait3A_136 = tpu.memref_squeeze %dma_wait3A_135 : memref<1x16x128xi32, #tpu.memory_space<vmem>> -> memref<16x128xi32, #tpu.memory_space<vmem>>
        %dma_wait3A_137 = arith.constant 0 : i32
        %dma_wait3A_138 = arith.constant 0 : i32
        %dma_wait3A_139 = tpu.memref_slice %arg3[%arg1, %dma_wait3A_137, %dma_wait3A_138] : memref<16x160x128xi32, #tpu.memory_space<hbm>> -> memref<1x160x128xi32, #tpu.memory_space<hbm>>
        %dma_wait3A_140 = tpu.memref_squeeze %dma_wait3A_139 : memref<1x160x128xi32, #tpu.memory_space<hbm>> -> memref<160x128xi32, #tpu.memory_space<hbm>>
        %dma_wait3A_141 = arith.constant 0 : i32
        %dma_wait3A_142 = tpu.memref_slice %dma_wait3A_140[%mul3A_132, %dma_wait3A_141] : memref<160x128xi32, #tpu.memory_space<hbm>> -> memref<16x128xi32, #tpu.memory_space<hbm>>
        %dma_wait3A_143 = arith.constant 0 : i32
        %dma_wait3A_144 = arith.constant 0 : i32
        %dma_wait3A_145 = tpu.memref_slice %arg8[%rem3A_126, %dma_wait3A_143, %dma_wait3A_144] : memref<2x16x128xi32, #tpu.memory_space<vmem>> -> memref<1x16x128xi32, #tpu.memory_space<vmem>>
        %dma_wait3A_146 = tpu.memref_squeeze %dma_wait3A_145 : memref<1x16x128xi32, #tpu.memory_space<vmem>> -> memref<16x128xi32, #tpu.memory_space<vmem>>
        %dma_wait3A_147 = arith.constant 0 : i32
        %dma_wait3A_148 = arith.constant 0 : i32
        %dma_wait3A_149 = tpu.memref_slice %arg3[%arg1, %dma_wait3A_147, %dma_wait3A_148] : memref<16x160x128xi32, #tpu.memory_space<hbm>> -> memref<1x160x128xi32, #tpu.memory_space<hbm>>
        %dma_wait3A_150 = tpu.memref_squeeze %dma_wait3A_149 : memref<1x160x128xi32, #tpu.memory_space<hbm>> -> memref<160x128xi32, #tpu.memory_space<hbm>>
        %dma_wait3A_151 = arith.constant 0 : i32
        %dma_wait3A_152 = tpu.memref_slice %dma_wait3A_150[%mul3A_132, %dma_wait3A_151] : memref<160x128xi32, #tpu.memory_space<hbm>> -> memref<16x128xi32, #tpu.memory_space<hbm>>
        tpu.wait_dma2 semaphore(%arg13 : memref<!tpu.dma_semaphore, #tpu.memory_space<semaphore_mem>>) src(%dma_wait3A_152 : memref<16x128xi32, #tpu.memory_space<hbm>>) dst(%dma_wait3A_146 : memref<16x128xi32, #tpu.memory_space<vmem>>)
        %mul3A_153 = arith.constant 16 : i32
        %mul3A_154 = arith.muli %scan3A_125, %mul3A_153 : i32
        %dma_wait3A_155 = arith.constant 0 : i32
        %dma_wait3A_156 = arith.constant 0 : i32
        %dma_wait3A_157 = tpu.memref_slice %arg9[%rem3A_126, %dma_wait3A_155, %dma_wait3A_156] : memref<2x16x128xi32, #tpu.memory_space<vmem>> -> memref<1x16x128xi32, #tpu.memory_space<vmem>>
        %dma_wait3A_158 = tpu.memref_squeeze %dma_wait3A_157 : memref<1x16x128xi32, #tpu.memory_space<vmem>> -> memref<16x128xi32, #tpu.memory_space<vmem>>
        %dma_wait3A_159 = arith.constant 0 : i32
        %dma_wait3A_160 = arith.constant 0 : i32
        %dma_wait3A_161 = tpu.memref_slice %arg4[%arg1, %dma_wait3A_159, %dma_wait3A_160] : memref<16x160x128xi32, #tpu.memory_space<hbm>> -> memref<1x160x128xi32, #tpu.memory_space<hbm>>
        %dma_wait3A_162 = tpu.memref_squeeze %dma_wait3A_161 : memref<1x160x128xi32, #tpu.memory_space<hbm>> -> memref<160x128xi32, #tpu.memory_space<hbm>>
        %dma_wait3A_163 = arith.constant 0 : i32
        %dma_wait3A_164 = tpu.memref_slice %dma_wait3A_162[%mul3A_154, %dma_wait3A_163] : memref<160x128xi32, #tpu.memory_space<hbm>> -> memref<16x128xi32, #tpu.memory_space<hbm>>
        %dma_wait3A_165 = arith.constant 0 : i32
        %dma_wait3A_166 = arith.constant 0 : i32
        %dma_wait3A_167 = tpu.memref_slice %arg9[%rem3A_126, %dma_wait3A_165, %dma_wait3A_166] : memref<2x16x128xi32, #tpu.memory_space<vmem>> -> memref<1x16x128xi32, #tpu.memory_space<vmem>>
        %dma_wait3A_168 = tpu.memref_squeeze %dma_wait3A_167 : memref<1x16x128xi32, #tpu.memory_space<vmem>> -> memref<16x128xi32, #tpu.memory_space<vmem>>
        %dma_wait3A_169 = arith.constant 0 : i32
        %dma_wait3A_170 = arith.constant 0 : i32
        %dma_wait3A_171 = tpu.memref_slice %arg4[%arg1, %dma_wait3A_169, %dma_wait3A_170] : memref<16x160x128xi32, #tpu.memory_space<hbm>> -> memref<1x160x128xi32, #tpu.memory_space<hbm>>
        %dma_wait3A_172 = tpu.memref_squeeze %dma_wait3A_171 : memref<1x160x128xi32, #tpu.memory_space<hbm>> -> memref<160x128xi32, #tpu.memory_space<hbm>>
        %dma_wait3A_173 = arith.constant 0 : i32
        %dma_wait3A_174 = tpu.memref_slice %dma_wait3A_172[%mul3A_154, %dma_wait3A_173] : memref<160x128xi32, #tpu.memory_space<hbm>> -> memref<16x128xi32, #tpu.memory_space<hbm>>
        tpu.wait_dma2 semaphore(%arg13 : memref<!tpu.dma_semaphore, #tpu.memory_space<semaphore_mem>>) src(%dma_wait3A_174 : memref<16x128xi32, #tpu.memory_space<hbm>>) dst(%dma_wait3A_168 : memref<16x128xi32, #tpu.memory_space<vmem>>)
        %gt3A = arith.constant 0 : i32
        %gt3A_175 = arith.cmpi sgt, %scan3A_125, %gt3A : i32
        %convert_element_type3A_176 = arith.extui %gt3A_175 : i1 to i32
        %cond3A_177 = arith.constant 0 : i32
        %cond3A_178 = arith.cmpi ne, %convert_element_type3A_176, %cond3A_177 : i32
        scf.if %cond3A_178 {
          %dma_wait3A_915 = arith.constant 0 : i32
          %dma_wait3A_916 = arith.constant 14 : i32
          %dma_wait3A_917 = arith.constant 0 : i32
          %dma_wait3A_918 = arith.constant 0 : i32
          %dma_wait3A_919 = tpu.memref_slice %arg10[%dma_wait3A_915, %dma_wait3A_917, %dma_wait3A_918] : memref<2x128x64xf32, #tpu.memory_space<vmem>> -> memref<1x128x64xf32, #tpu.memory_space<vmem>>
          %dma_wait3A_920 = tpu.memref_squeeze %dma_wait3A_919 : memref<1x128x64xf32, #tpu.memory_space<vmem>> -> memref<128x64xf32, #tpu.memory_space<vmem>>
          %dma_wait3A_921 = arith.constant 0 : i32
          %dma_wait3A_922 = tpu.memref_slice %arg9[%rem3A_130, %dma_wait3A_916, %dma_wait3A_921] : memref<2x16x128xi32, #tpu.memory_space<vmem>> -> memref<1x1x128xi32, #tpu.memory_space<vmem>>
          %dma_wait3A_923 = tpu.memref_squeeze %dma_wait3A_922 : memref<1x1x128xi32, #tpu.memory_space<vmem>> -> memref<128xi32, #tpu.memory_space<vmem>>
          %dma_wait3A_924 = arith.constant 0 : i32
          %dma_wait3A_925 = arith.constant 0 : i32
          %dma_wait3A_926 = tpu.memref_slice %arg7[%dma_wait3A_924, %dma_wait3A_925] : memref<10008x64xf32, #tpu.memory_space<vmem_shared>> -> memref<10008x64xf32, #tpu.memory_space<vmem_shared>>
          tpu.wait_indirect_dma semaphore(%arg12 : memref<!tpu.dma_semaphore, #tpu.memory_space<semaphore_mem>>) src(%dma_wait3A_920 : memref<128x64xf32, #tpu.memory_space<vmem>>) dst(%dma_wait3A_926 : memref<10008x64xf32, #tpu.memory_space<vmem_shared>>)
        } else {
        }
        %dma_start3A_179 = arith.constant 0 : i32
        %dma_start3A_180 = arith.constant 0 : i32
        %dma_start3A_181 = arith.constant 0 : i32
        %dma_start3A_182 = arith.constant 0 : i32
        %dma_start3A_183 = tpu.memref_slice %arg10[%dma_start3A_180, %dma_start3A_181, %dma_start3A_182] : memref<2x128x64xf32, #tpu.memory_space<vmem>> -> memref<1x128x64xf32, #tpu.memory_space<vmem>>
        %dma_start3A_184 = tpu.memref_squeeze %dma_start3A_183 : memref<1x128x64xf32, #tpu.memory_space<vmem>> -> memref<128x64xf32, #tpu.memory_space<vmem>>
        %dma_start3A_185 = arith.constant 0 : i32
        %dma_start3A_186 = tpu.memref_slice %arg8[%rem3A_126, %dma_start3A_179, %dma_start3A_185] : memref<2x16x128xi32, #tpu.memory_space<vmem>> -> memref<1x1x128xi32, #tpu.memory_space<vmem>>
        %dma_start3A_187 = tpu.memref_squeeze %dma_start3A_186 : memref<1x1x128xi32, #tpu.memory_space<vmem>> -> memref<128xi32, #tpu.memory_space<vmem>>
        %dma_start3A_188 = arith.constant 0 : i32
        %dma_start3A_189 = arith.constant 0 : i32
        %dma_start3A_190 = tpu.memref_slice %arg6[%dma_start3A_188, %dma_start3A_189] : memref<10000x64xf32, #tpu.memory_space<vmem_shared>> -> memref<10000x64xf32, #tpu.memory_space<vmem_shared>>
        tpu.enqueue_indirect_dma source(%dma_start3A_190 : memref<10000x64xf32, #tpu.memory_space<vmem_shared>>) target(%dma_start3A_184 : memref<128x64xf32, #tpu.memory_space<vmem>>) offsets(%dma_start3A_187 : memref<128xi32, #tpu.memory_space<vmem>>) semaphore(%arg11 : memref<!tpu.dma_semaphore, #tpu.memory_space<semaphore_mem>>)
        %gt3A_191 = arith.constant 0 : i32
        %gt3A_192 = arith.cmpi sgt, %scan3A_125, %gt3A_191 : i32
        %convert_element_type3A_193 = arith.extui %gt3A_192 : i1 to i32
        %cond3A_194 = arith.constant 0 : i32
        %cond3A_195 = arith.cmpi ne, %convert_element_type3A_193, %cond3A_194 : i32
        scf.if %cond3A_195 {
          %dma_wait3A_915 = arith.constant 15 : i32
          %dma_wait3A_916 = arith.constant 1 : i32
          %dma_wait3A_917 = arith.constant 0 : i32
          %dma_wait3A_918 = arith.constant 0 : i32
          %dma_wait3A_919 = tpu.memref_slice %arg10[%dma_wait3A_916, %dma_wait3A_917, %dma_wait3A_918] : memref<2x128x64xf32, #tpu.memory_space<vmem>> -> memref<1x128x64xf32, #tpu.memory_space<vmem>>
          %dma_wait3A_920 = tpu.memref_squeeze %dma_wait3A_919 : memref<1x128x64xf32, #tpu.memory_space<vmem>> -> memref<128x64xf32, #tpu.memory_space<vmem>>
          %dma_wait3A_921 = arith.constant 0 : i32
          %dma_wait3A_922 = tpu.memref_slice %arg8[%rem3A_130, %dma_wait3A_915, %dma_wait3A_921] : memref<2x16x128xi32, #tpu.memory_space<vmem>> -> memref<1x1x128xi32, #tpu.memory_space<vmem>>
          %dma_wait3A_923 = tpu.memref_squeeze %dma_wait3A_922 : memref<1x1x128xi32, #tpu.memory_space<vmem>> -> memref<128xi32, #tpu.memory_space<vmem>>
          %dma_wait3A_924 = arith.constant 0 : i32
          %dma_wait3A_925 = arith.constant 0 : i32
          %dma_wait3A_926 = tpu.memref_slice %arg6[%dma_wait3A_924, %dma_wait3A_925] : memref<10000x64xf32, #tpu.memory_space<vmem_shared>> -> memref<10000x64xf32, #tpu.memory_space<vmem_shared>>
          tpu.wait_indirect_dma semaphore(%arg11 : memref<!tpu.dma_semaphore, #tpu.memory_space<semaphore_mem>>) src(%dma_wait3A_926 : memref<10000x64xf32, #tpu.memory_space<vmem_shared>>) dst(%dma_wait3A_920 : memref<128x64xf32, #tpu.memory_space<vmem>>)
          %dma_start3A_927 = arith.constant 1 : i32
          %dma_start3A_928 = arith.constant 15 : i32
          %dma_start3A_929 = arith.constant 0 : i32
          %dma_start3A_930 = arith.constant 0 : i32
          %dma_start3A_931 = tpu.memref_slice %arg10[%dma_start3A_927, %dma_start3A_929, %dma_start3A_930] : memref<2x128x64xf32, #tpu.memory_space<vmem>> -> memref<1x128x64xf32, #tpu.memory_space<vmem>>
          %dma_start3A_932 = tpu.memref_squeeze %dma_start3A_931 : memref<1x128x64xf32, #tpu.memory_space<vmem>> -> memref<128x64xf32, #tpu.memory_space<vmem>>
          %dma_start3A_933 = arith.constant 0 : i32
          %dma_start3A_934 = tpu.memref_slice %arg9[%rem3A_130, %dma_start3A_928, %dma_start3A_933] : memref<2x16x128xi32, #tpu.memory_space<vmem>> -> memref<1x1x128xi32, #tpu.memory_space<vmem>>
          %dma_start3A_935 = tpu.memref_squeeze %dma_start3A_934 : memref<1x1x128xi32, #tpu.memory_space<vmem>> -> memref<128xi32, #tpu.memory_space<vmem>>
          %dma_start3A_936 = arith.constant 0 : i32
          %dma_start3A_937 = arith.constant 0 : i32
          %dma_start3A_938 = tpu.memref_slice %arg7[%dma_start3A_936, %dma_start3A_937] : memref<10008x64xf32, #tpu.memory_space<vmem_shared>> -> memref<10008x64xf32, #tpu.memory_space<vmem_shared>>
          tpu.enqueue_indirect_dma source(%dma_start3A_932 : memref<128x64xf32, #tpu.memory_space<vmem>>) target(%dma_start3A_938 : memref<10008x64xf32, #tpu.memory_space<vmem_shared>>) offsets(%dma_start3A_935 : memref<128xi32, #tpu.memory_space<vmem>>) semaphore(%arg12 : memref<!tpu.dma_semaphore, #tpu.memory_space<semaphore_mem>>) {add = true}
        } else {
        }
        %gt3A_196 = arith.constant 0 : i32
        %gt3A_197 = arith.cmpi sgt, %scan3A_125, %gt3A_196 : i32
        %convert_element_type3A_198 = arith.extui %gt3A_197 : i1 to i32
        %cond3A_199 = arith.constant 0 : i32
        %cond3A_200 = arith.cmpi ne, %convert_element_type3A_198, %cond3A_199 : i32
        scf.if %cond3A_200 {
          %dma_wait3A_915 = arith.constant 1 : i32
          %dma_wait3A_916 = arith.constant 15 : i32
          %dma_wait3A_917 = arith.constant 0 : i32
          %dma_wait3A_918 = arith.constant 0 : i32
          %dma_wait3A_919 = tpu.memref_slice %arg10[%dma_wait3A_915, %dma_wait3A_917, %dma_wait3A_918] : memref<2x128x64xf32, #tpu.memory_space<vmem>> -> memref<1x128x64xf32, #tpu.memory_space<vmem>>
          %dma_wait3A_920 = tpu.memref_squeeze %dma_wait3A_919 : memref<1x128x64xf32, #tpu.memory_space<vmem>> -> memref<128x64xf32, #tpu.memory_space<vmem>>
          %dma_wait3A_921 = arith.constant 0 : i32
          %dma_wait3A_922 = tpu.memref_slice %arg9[%rem3A_130, %dma_wait3A_916, %dma_wait3A_921] : memref<2x16x128xi32, #tpu.memory_space<vmem>> -> memref<1x1x128xi32, #tpu.memory_space<vmem>>
          %dma_wait3A_923 = tpu.memref_squeeze %dma_wait3A_922 : memref<1x1x128xi32, #tpu.memory_space<vmem>> -> memref<128xi32, #tpu.memory_space<vmem>>
          %dma_wait3A_924 = arith.constant 0 : i32
          %dma_wait3A_925 = arith.constant 0 : i32
          %dma_wait3A_926 = tpu.memref_slice %arg7[%dma_wait3A_924, %dma_wait3A_925] : memref<10008x64xf32, #tpu.memory_space<vmem_shared>> -> memref<10008x64xf32, #tpu.memory_space<vmem_shared>>
          tpu.wait_indirect_dma semaphore(%arg12 : memref<!tpu.dma_semaphore, #tpu.memory_space<semaphore_mem>>) src(%dma_wait3A_920 : memref<128x64xf32, #tpu.memory_space<vmem>>) dst(%dma_wait3A_926 : memref<10008x64xf32, #tpu.memory_space<vmem_shared>>)
        } else {
        }
        %dma_start3A_201 = arith.constant 1 : i32
        %dma_start3A_202 = arith.constant 1 : i32
        %dma_start3A_203 = arith.constant 0 : i32
        %dma_start3A_204 = arith.constant 0 : i32
        %dma_start3A_205 = tpu.memref_slice %arg10[%dma_start3A_202, %dma_start3A_203, %dma_start3A_204] : memref<2x128x64xf32, #tpu.memory_space<vmem>> -> memref<1x128x64xf32, #tpu.memory_space<vmem>>
        %dma_start3A_206 = tpu.memref_squeeze %dma_start3A_205 : memref<1x128x64xf32, #tpu.memory_space<vmem>> -> memref<128x64xf32, #tpu.memory_space<vmem>>
        %dma_start3A_207 = arith.constant 0 : i32
        %dma_start3A_208 = tpu.memref_slice %arg8[%rem3A_126, %dma_start3A_201, %dma_start3A_207] : memref<2x16x128xi32, #tpu.memory_space<vmem>> -> memref<1x1x128xi32, #tpu.memory_space<vmem>>
        %dma_start3A_209 = tpu.memref_squeeze %dma_start3A_208 : memref<1x1x128xi32, #tpu.memory_space<vmem>> -> memref<128xi32, #tpu.memory_space<vmem>>
        %dma_start3A_210 = arith.constant 0 : i32
        %dma_start3A_211 = arith.constant 0 : i32
        %dma_start3A_212 = tpu.memref_slice %arg6[%dma_start3A_210, %dma_start3A_211] : memref<10000x64xf32, #tpu.memory_space<vmem_shared>> -> memref<10000x64xf32, #tpu.memory_space<vmem_shared>>
        tpu.enqueue_indirect_dma source(%dma_start3A_212 : memref<10000x64xf32, #tpu.memory_space<vmem_shared>>) target(%dma_start3A_206 : memref<128x64xf32, #tpu.memory_space<vmem>>) offsets(%dma_start3A_209 : memref<128xi32, #tpu.memory_space<vmem>>) semaphore(%arg11 : memref<!tpu.dma_semaphore, #tpu.memory_space<semaphore_mem>>)
        %dma_wait3A_213 = arith.constant 0 : i32
        %dma_wait3A_214 = arith.constant 0 : i32
        %dma_wait3A_215 = arith.constant 0 : i32
        %dma_wait3A_216 = arith.constant 0 : i32
        %dma_wait3A_217 = tpu.memref_slice %arg10[%dma_wait3A_214, %dma_wait3A_215, %dma_wait3A_216] : memref<2x128x64xf32, #tpu.memory_space<vmem>> -> memref<1x128x64xf32, #tpu.memory_space<vmem>>
        %dma_wait3A_218 = tpu.memref_squeeze %dma_wait3A_217 : memref<1x128x64xf32, #tpu.memory_space<vmem>> -> memref<128x64xf32, #tpu.memory_space<vmem>>
        %dma_wait3A_219 = arith.constant 0 : i32
        %dma_wait3A_220 = tpu.memref_slice %arg8[%rem3A_126, %dma_wait3A_213, %dma_wait3A_219] : memref<2x16x128xi32, #tpu.memory_space<vmem>> -> memref<1x1x128xi32, #tpu.memory_space<vmem>>
        %dma_wait3A_221 = tpu.memref_squeeze %dma_wait3A_220 : memref<1x1x128xi32, #tpu.memory_space<vmem>> -> memref<128xi32, #tpu.memory_space<vmem>>
        %dma_wait3A_222 = arith.constant 0 : i32
        %dma_wait3A_223 = arith.constant 0 : i32
        %dma_wait3A_224 = tpu.memref_slice %arg6[%dma_wait3A_222, %dma_wait3A_223] : memref<10000x64xf32, #tpu.memory_space<vmem_shared>> -> memref<10000x64xf32, #tpu.memory_space<vmem_shared>>
        tpu.wait_indirect_dma semaphore(%arg11 : memref<!tpu.dma_semaphore, #tpu.memory_space<semaphore_mem>>) src(%dma_wait3A_224 : memref<10000x64xf32, #tpu.memory_space<vmem_shared>>) dst(%dma_wait3A_218 : memref<128x64xf32, #tpu.memory_space<vmem>>)
        %dma_start3A_225 = arith.constant 0 : i32
        %dma_start3A_226 = arith.constant 0 : i32
        %dma_start3A_227 = arith.constant 0 : i32
        %dma_start3A_228 = arith.constant 0 : i32
        %dma_start3A_229 = tpu.memref_slice %arg10[%dma_start3A_225, %dma_start3A_227, %dma_start3A_228] : memref<2x128x64xf32, #tpu.memory_space<vmem>> -> memref<1x128x64xf32, #tpu.memory_space<vmem>>
        %dma_start3A_230 = tpu.memref_squeeze %dma_start3A_229 : memref<1x128x64xf32, #tpu.memory_space<vmem>> -> memref<128x64xf32, #tpu.memory_space<vmem>>
        %dma_start3A_231 = arith.constant 0 : i32
        %dma_start3A_232 = tpu.memref_slice %arg9[%rem3A_126, %dma_start3A_226, %dma_start3A_231] : memref<2x16x128xi32, #tpu.memory_space<vmem>> -> memref<1x1x128xi32, #tpu.memory_space<vmem>>
        %dma_start3A_233 = tpu.memref_squeeze %dma_start3A_232 : memref<1x1x128xi32, #tpu.memory_space<vmem>> -> memref<128xi32, #tpu.memory_space<vmem>>
        %dma_start3A_234 = arith.constant 0 : i32
        %dma_start3A_235 = arith.constant 0 : i32
        %dma_start3A_236 = tpu.memref_slice %arg7[%dma_start3A_234, %dma_start3A_235] : memref<10008x64xf32, #tpu.memory_space<vmem_shared>> -> memref<10008x64xf32, #tpu.memory_space<vmem_shared>>
        tpu.enqueue_indirect_dma source(%dma_start3A_230 : memref<128x64xf32, #tpu.memory_space<vmem>>) target(%dma_start3A_236 : memref<10008x64xf32, #tpu.memory_space<vmem_shared>>) offsets(%dma_start3A_233 : memref<128xi32, #tpu.memory_space<vmem>>) semaphore(%arg12 : memref<!tpu.dma_semaphore, #tpu.memory_space<semaphore_mem>>) {add = true}
        %dma_wait3A_237 = arith.constant 0 : i32
        %dma_wait3A_238 = arith.constant 0 : i32
        %dma_wait3A_239 = arith.constant 0 : i32
        %dma_wait3A_240 = arith.constant 0 : i32
        %dma_wait3A_241 = tpu.memref_slice %arg10[%dma_wait3A_237, %dma_wait3A_239, %dma_wait3A_240] : memref<2x128x64xf32, #tpu.memory_space<vmem>> -> memref<1x128x64xf32, #tpu.memory_space<vmem>>
        %dma_wait3A_242 = tpu.memref_squeeze %dma_wait3A_241 : memref<1x128x64xf32, #tpu.memory_space<vmem>> -> memref<128x64xf32, #tpu.memory_space<vmem>>
        %dma_wait3A_243 = arith.constant 0 : i32
        %dma_wait3A_244 = tpu.memref_slice %arg9[%rem3A_126, %dma_wait3A_238, %dma_wait3A_243] : memref<2x16x128xi32, #tpu.memory_space<vmem>> -> memref<1x1x128xi32, #tpu.memory_space<vmem>>
        %dma_wait3A_245 = tpu.memref_squeeze %dma_wait3A_244 : memref<1x1x128xi32, #tpu.memory_space<vmem>> -> memref<128xi32, #tpu.memory_space<vmem>>
        %dma_wait3A_246 = arith.constant 0 : i32
        %dma_wait3A_247 = arith.constant 0 : i32
        %dma_wait3A_248 = tpu.memref_slice %arg7[%dma_wait3A_246, %dma_wait3A_247] : memref<10008x64xf32, #tpu.memory_space<vmem_shared>> -> memref<10008x64xf32, #tpu.memory_space<vmem_shared>>
        tpu.wait_indirect_dma semaphore(%arg12 : memref<!tpu.dma_semaphore, #tpu.memory_space<semaphore_mem>>) src(%dma_wait3A_242 : memref<128x64xf32, #tpu.memory_space<vmem>>) dst(%dma_wait3A_248 : memref<10008x64xf32, #tpu.memory_space<vmem_shared>>)
        %dma_start3A_249 = arith.constant 2 : i32
        %dma_start3A_250 = arith.constant 0 : i32
        %dma_start3A_251 = arith.constant 0 : i32
        %dma_start3A_252 = arith.constant 0 : i32
        %dma_start3A_253 = tpu.memref_slice %arg10[%dma_start3A_250, %dma_start3A_251, %dma_start3A_252] : memref<2x128x64xf32, #tpu.memory_space<vmem>> -> memref<1x128x64xf32, #tpu.memory_space<vmem>>
        %dma_start3A_254 = tpu.memref_squeeze %dma_start3A_253 : memref<1x128x64xf32, #tpu.memory_space<vmem>> -> memref<128x64xf32, #tpu.memory_space<vmem>>
        %dma_start3A_255 = arith.constant 0 : i32
        %dma_start3A_256 = tpu.memref_slice %arg8[%rem3A_126, %dma_start3A_249, %dma_start3A_255] : memref<2x16x128xi32, #tpu.memory_space<vmem>> -> memref<1x1x128xi32, #tpu.memory_space<vmem>>
        %dma_start3A_257 = tpu.memref_squeeze %dma_start3A_256 : memref<1x1x128xi32, #tpu.memory_space<vmem>> -> memref<128xi32, #tpu.memory_space<vmem>>
        %dma_start3A_258 = arith.constant 0 : i32
        %dma_start3A_259 = arith.constant 0 : i32
        %dma_start3A_260 = tpu.memref_slice %arg6[%dma_start3A_258, %dma_start3A_259] : memref<10000x64xf32, #tpu.memory_space<vmem_shared>> -> memref<10000x64xf32, #tpu.memory_space<vmem_shared>>
        tpu.enqueue_indirect_dma source(%dma_start3A_260 : memref<10000x64xf32, #tpu.memory_space<vmem_shared>>) target(%dma_start3A_254 : memref<128x64xf32, #tpu.memory_space<vmem>>) offsets(%dma_start3A_257 : memref<128xi32, #tpu.memory_space<vmem>>) semaphore(%arg11 : memref<!tpu.dma_semaphore, #tpu.memory_space<semaphore_mem>>)
        %dma_wait3A_261 = arith.constant 1 : i32
        %dma_wait3A_262 = arith.constant 1 : i32
        %dma_wait3A_263 = arith.constant 0 : i32
        %dma_wait3A_264 = arith.constant 0 : i32
        %dma_wait3A_265 = tpu.memref_slice %arg10[%dma_wait3A_262, %dma_wait3A_263, %dma_wait3A_264] : memref<2x128x64xf32, #tpu.memory_space<vmem>> -> memref<1x128x64xf32, #tpu.memory_space<vmem>>
        %dma_wait3A_266 = tpu.memref_squeeze %dma_wait3A_265 : memref<1x128x64xf32, #tpu.memory_space<vmem>> -> memref<128x64xf32, #tpu.memory_space<vmem>>
        %dma_wait3A_267 = arith.constant 0 : i32
        %dma_wait3A_268 = tpu.memref_slice %arg8[%rem3A_126, %dma_wait3A_261, %dma_wait3A_267] : memref<2x16x128xi32, #tpu.memory_space<vmem>> -> memref<1x1x128xi32, #tpu.memory_space<vmem>>
        %dma_wait3A_269 = tpu.memref_squeeze %dma_wait3A_268 : memref<1x1x128xi32, #tpu.memory_space<vmem>> -> memref<128xi32, #tpu.memory_space<vmem>>
        %dma_wait3A_270 = arith.constant 0 : i32
        %dma_wait3A_271 = arith.constant 0 : i32
        %dma_wait3A_272 = tpu.memref_slice %arg6[%dma_wait3A_270, %dma_wait3A_271] : memref<10000x64xf32, #tpu.memory_space<vmem_shared>> -> memref<10000x64xf32, #tpu.memory_space<vmem_shared>>
        tpu.wait_indirect_dma semaphore(%arg11 : memref<!tpu.dma_semaphore, #tpu.memory_space<semaphore_mem>>) src(%dma_wait3A_272 : memref<10000x64xf32, #tpu.memory_space<vmem_shared>>) dst(%dma_wait3A_266 : memref<128x64xf32, #tpu.memory_space<vmem>>)
        %dma_start3A_273 = arith.constant 1 : i32
        %dma_start3A_274 = arith.constant 1 : i32
        %dma_start3A_275 = arith.constant 0 : i32
        %dma_start3A_276 = arith.constant 0 : i32
        %dma_start3A_277 = tpu.memref_slice %arg10[%dma_start3A_273, %dma_start3A_275, %dma_start3A_276] : memref<2x128x64xf32, #tpu.memory_space<vmem>> -> memref<1x128x64xf32, #tpu.memory_space<vmem>>
        %dma_start3A_278 = tpu.memref_squeeze %dma_start3A_277 : memref<1x128x64xf32, #tpu.memory_space<vmem>> -> memref<128x64xf32, #tpu.memory_space<vmem>>
        %dma_start3A_279 = arith.constant 0 : i32
        %dma_start3A_280 = tpu.memref_slice %arg9[%rem3A_126, %dma_start3A_274, %dma_start3A_279] : memref<2x16x128xi32, #tpu.memory_space<vmem>> -> memref<1x1x128xi32, #tpu.memory_space<vmem>>
        %dma_start3A_281 = tpu.memref_squeeze %dma_start3A_280 : memref<1x1x128xi32, #tpu.memory_space<vmem>> -> memref<128xi32, #tpu.memory_space<vmem>>
        %dma_start3A_282 = arith.constant 0 : i32
        %dma_start3A_283 = arith.constant 0 : i32
        %dma_start3A_284 = tpu.memref_slice %arg7[%dma_start3A_282, %dma_start3A_283] : memref<10008x64xf32, #tpu.memory_space<vmem_shared>> -> memref<10008x64xf32, #tpu.memory_space<vmem_shared>>
        tpu.enqueue_indirect_dma source(%dma_start3A_278 : memref<128x64xf32, #tpu.memory_space<vmem>>) target(%dma_start3A_284 : memref<10008x64xf32, #tpu.memory_space<vmem_shared>>) offsets(%dma_start3A_281 : memref<128xi32, #tpu.memory_space<vmem>>) semaphore(%arg12 : memref<!tpu.dma_semaphore, #tpu.memory_space<semaphore_mem>>) {add = true}
        %dma_wait3A_285 = arith.constant 1 : i32
        %dma_wait3A_286 = arith.constant 1 : i32
        %dma_wait3A_287 = arith.constant 0 : i32
        %dma_wait3A_288 = arith.constant 0 : i32
        %dma_wait3A_289 = tpu.memref_slice %arg10[%dma_wait3A_285, %dma_wait3A_287, %dma_wait3A_288] : memref<2x128x64xf32, #tpu.memory_space<vmem>> -> memref<1x128x64xf32, #tpu.memory_space<vmem>>
        %dma_wait3A_290 = tpu.memref_squeeze %dma_wait3A_289 : memref<1x128x64xf32, #tpu.memory_space<vmem>> -> memref<128x64xf32, #tpu.memory_space<vmem>>
        %dma_wait3A_291 = arith.constant 0 : i32
        %dma_wait3A_292 = tpu.memref_slice %arg9[%rem3A_126, %dma_wait3A_286, %dma_wait3A_291] : memref<2x16x128xi32, #tpu.memory_space<vmem>> -> memref<1x1x128xi32, #tpu.memory_space<vmem>>
        %dma_wait3A_293 = tpu.memref_squeeze %dma_wait3A_292 : memref<1x1x128xi32, #tpu.memory_space<vmem>> -> memref<128xi32, #tpu.memory_space<vmem>>
        %dma_wait3A_294 = arith.constant 0 : i32
        %dma_wait3A_295 = arith.constant 0 : i32
        %dma_wait3A_296 = tpu.memref_slice %arg7[%dma_wait3A_294, %dma_wait3A_295] : memref<10008x64xf32, #tpu.memory_space<vmem_shared>> -> memref<10008x64xf32, #tpu.memory_space<vmem_shared>>
        tpu.wait_indirect_dma semaphore(%arg12 : memref<!tpu.dma_semaphore, #tpu.memory_space<semaphore_mem>>) src(%dma_wait3A_290 : memref<128x64xf32, #tpu.memory_space<vmem>>) dst(%dma_wait3A_296 : memref<10008x64xf32, #tpu.memory_space<vmem_shared>>)
        %dma_start3A_297 = arith.constant 3 : i32
        %dma_start3A_298 = arith.constant 1 : i32
        %dma_start3A_299 = arith.constant 0 : i32
        %dma_start3A_300 = arith.constant 0 : i32
        %dma_start3A_301 = tpu.memref_slice %arg10[%dma_start3A_298, %dma_start3A_299, %dma_start3A_300] : memref<2x128x64xf32, #tpu.memory_space<vmem>> -> memref<1x128x64xf32, #tpu.memory_space<vmem>>
        %dma_start3A_302 = tpu.memref_squeeze %dma_start3A_301 : memref<1x128x64xf32, #tpu.memory_space<vmem>> -> memref<128x64xf32, #tpu.memory_space<vmem>>
        %dma_start3A_303 = arith.constant 0 : i32
        %dma_start3A_304 = tpu.memref_slice %arg8[%rem3A_126, %dma_start3A_297, %dma_start3A_303] : memref<2x16x128xi32, #tpu.memory_space<vmem>> -> memref<1x1x128xi32, #tpu.memory_space<vmem>>
        %dma_start3A_305 = tpu.memref_squeeze %dma_start3A_304 : memref<1x1x128xi32, #tpu.memory_space<vmem>> -> memref<128xi32, #tpu.memory_space<vmem>>
        %dma_start3A_306 = arith.constant 0 : i32
        %dma_start3A_307 = arith.constant 0 : i32
        %dma_start3A_308 = tpu.memref_slice %arg6[%dma_start3A_306, %dma_start3A_307] : memref<10000x64xf32, #tpu.memory_space<vmem_shared>> -> memref<10000x64xf32, #tpu.memory_space<vmem_shared>>
        tpu.enqueue_indirect_dma source(%dma_start3A_308 : memref<10000x64xf32, #tpu.memory_space<vmem_shared>>) target(%dma_start3A_302 : memref<128x64xf32, #tpu.memory_space<vmem>>) offsets(%dma_start3A_305 : memref<128xi32, #tpu.memory_space<vmem>>) semaphore(%arg11 : memref<!tpu.dma_semaphore, #tpu.memory_space<semaphore_mem>>)
        %dma_wait3A_309 = arith.constant 2 : i32
        %dma_wait3A_310 = arith.constant 0 : i32
        %dma_wait3A_311 = arith.constant 0 : i32
        %dma_wait3A_312 = arith.constant 0 : i32
        %dma_wait3A_313 = tpu.memref_slice %arg10[%dma_wait3A_310, %dma_wait3A_311, %dma_wait3A_312] : memref<2x128x64xf32, #tpu.memory_space<vmem>> -> memref<1x128x64xf32, #tpu.memory_space<vmem>>
        %dma_wait3A_314 = tpu.memref_squeeze %dma_wait3A_313 : memref<1x128x64xf32, #tpu.memory_space<vmem>> -> memref<128x64xf32, #tpu.memory_space<vmem>>
        %dma_wait3A_315 = arith.constant 0 : i32
        %dma_wait3A_316 = tpu.memref_slice %arg8[%rem3A_126, %dma_wait3A_309, %dma_wait3A_315] : memref<2x16x128xi32, #tpu.memory_space<vmem>> -> memref<1x1x128xi32, #tpu.memory_space<vmem>>
        %dma_wait3A_317 = tpu.memref_squeeze %dma_wait3A_316 : memref<1x1x128xi32, #tpu.memory_space<vmem>> -> memref<128xi32, #tpu.memory_space<vmem>>
        %dma_wait3A_318 = arith.constant 0 : i32
        %dma_wait3A_319 = arith.constant 0 : i32
        %dma_wait3A_320 = tpu.memref_slice %arg6[%dma_wait3A_318, %dma_wait3A_319] : memref<10000x64xf32, #tpu.memory_space<vmem_shared>> -> memref<10000x64xf32, #tpu.memory_space<vmem_shared>>
        tpu.wait_indirect_dma semaphore(%arg11 : memref<!tpu.dma_semaphore, #tpu.memory_space<semaphore_mem>>) src(%dma_wait3A_320 : memref<10000x64xf32, #tpu.memory_space<vmem_shared>>) dst(%dma_wait3A_314 : memref<128x64xf32, #tpu.memory_space<vmem>>)
        %dma_start3A_321 = arith.constant 0 : i32
        %dma_start3A_322 = arith.constant 2 : i32
        %dma_start3A_323 = arith.constant 0 : i32
        %dma_start3A_324 = arith.constant 0 : i32
        %dma_start3A_325 = tpu.memref_slice %arg10[%dma_start3A_321, %dma_start3A_323, %dma_start3A_324] : memref<2x128x64xf32, #tpu.memory_space<vmem>> -> memref<1x128x64xf32, #tpu.memory_space<vmem>>
        %dma_start3A_326 = tpu.memref_squeeze %dma_start3A_325 : memref<1x128x64xf32, #tpu.memory_space<vmem>> -> memref<128x64xf32, #tpu.memory_space<vmem>>
        %dma_start3A_327 = arith.constant 0 : i32
        %dma_start3A_328 = tpu.memref_slice %arg9[%rem3A_126, %dma_start3A_322, %dma_start3A_327] : memref<2x16x128xi32, #tpu.memory_space<vmem>> -> memref<1x1x128xi32, #tpu.memory_space<vmem>>
        %dma_start3A_329 = tpu.memref_squeeze %dma_start3A_328 : memref<1x1x128xi32, #tpu.memory_space<vmem>> -> memref<128xi32, #tpu.memory_space<vmem>>
        %dma_start3A_330 = arith.constant 0 : i32
        %dma_start3A_331 = arith.constant 0 : i32
        %dma_start3A_332 = tpu.memref_slice %arg7[%dma_start3A_330, %dma_start3A_331] : memref<10008x64xf32, #tpu.memory_space<vmem_shared>> -> memref<10008x64xf32, #tpu.memory_space<vmem_shared>>
        tpu.enqueue_indirect_dma source(%dma_start3A_326 : memref<128x64xf32, #tpu.memory_space<vmem>>) target(%dma_start3A_332 : memref<10008x64xf32, #tpu.memory_space<vmem_shared>>) offsets(%dma_start3A_329 : memref<128xi32, #tpu.memory_space<vmem>>) semaphore(%arg12 : memref<!tpu.dma_semaphore, #tpu.memory_space<semaphore_mem>>) {add = true}
        %dma_wait3A_333 = arith.constant 0 : i32
        %dma_wait3A_334 = arith.constant 2 : i32
        %dma_wait3A_335 = arith.constant 0 : i32
        %dma_wait3A_336 = arith.constant 0 : i32
        %dma_wait3A_337 = tpu.memref_slice %arg10[%dma_wait3A_333, %dma_wait3A_335, %dma_wait3A_336] : memref<2x128x64xf32, #tpu.memory_space<vmem>> -> memref<1x128x64xf32, #tpu.memory_space<vmem>>
        %dma_wait3A_338 = tpu.memref_squeeze %dma_wait3A_337 : memref<1x128x64xf32, #tpu.memory_space<vmem>> -> memref<128x64xf32, #tpu.memory_space<vmem>>
        %dma_wait3A_339 = arith.constant 0 : i32
        %dma_wait3A_340 = tpu.memref_slice %arg9[%rem3A_126, %dma_wait3A_334, %dma_wait3A_339] : memref<2x16x128xi32, #tpu.memory_space<vmem>> -> memref<1x1x128xi32, #tpu.memory_space<vmem>>
        %dma_wait3A_341 = tpu.memref_squeeze %dma_wait3A_340 : memref<1x1x128xi32, #tpu.memory_space<vmem>> -> memref<128xi32, #tpu.memory_space<vmem>>
        %dma_wait3A_342 = arith.constant 0 : i32
        %dma_wait3A_343 = arith.constant 0 : i32
        %dma_wait3A_344 = tpu.memref_slice %arg7[%dma_wait3A_342, %dma_wait3A_343] : memref<10008x64xf32, #tpu.memory_space<vmem_shared>> -> memref<10008x64xf32, #tpu.memory_space<vmem_shared>>
        tpu.wait_indirect_dma semaphore(%arg12 : memref<!tpu.dma_semaphore, #tpu.memory_space<semaphore_mem>>) src(%dma_wait3A_338 : memref<128x64xf32, #tpu.memory_space<vmem>>) dst(%dma_wait3A_344 : memref<10008x64xf32, #tpu.memory_space<vmem_shared>>)
        %dma_start3A_345 = arith.constant 4 : i32
        %dma_start3A_346 = arith.constant 0 : i32
        %dma_start3A_347 = arith.constant 0 : i32
        %dma_start3A_348 = arith.constant 0 : i32
        %dma_start3A_349 = tpu.memref_slice %arg10[%dma_start3A_346, %dma_start3A_347, %dma_start3A_348] : memref<2x128x64xf32, #tpu.memory_space<vmem>> -> memref<1x128x64xf32, #tpu.memory_space<vmem>>
        %dma_start3A_350 = tpu.memref_squeeze %dma_start3A_349 : memref<1x128x64xf32, #tpu.memory_space<vmem>> -> memref<128x64xf32, #tpu.memory_space<vmem>>
        %dma_start3A_351 = arith.constant 0 : i32
        %dma_start3A_352 = tpu.memref_slice %arg8[%rem3A_126, %dma_start3A_345, %dma_start3A_351] : memref<2x16x128xi32, #tpu.memory_space<vmem>> -> memref<1x1x128xi32, #tpu.memory_space<vmem>>
        %dma_start3A_353 = tpu.memref_squeeze %dma_start3A_352 : memref<1x1x128xi32, #tpu.memory_space<vmem>> -> memref<128xi32, #tpu.memory_space<vmem>>
        %dma_start3A_354 = arith.constant 0 : i32
        %dma_start3A_355 = arith.constant 0 : i32
        %dma_start3A_356 = tpu.memref_slice %arg6[%dma_start3A_354, %dma_start3A_355] : memref<10000x64xf32, #tpu.memory_space<vmem_shared>> -> memref<10000x64xf32, #tpu.memory_space<vmem_shared>>
        tpu.enqueue_indirect_dma source(%dma_start3A_356 : memref<10000x64xf32, #tpu.memory_space<vmem_shared>>) target(%dma_start3A_350 : memref<128x64xf32, #tpu.memory_space<vmem>>) offsets(%dma_start3A_353 : memref<128xi32, #tpu.memory_space<vmem>>) semaphore(%arg11 : memref<!tpu.dma_semaphore, #tpu.memory_space<semaphore_mem>>)
        %dma_wait3A_357 = arith.constant 3 : i32
        %dma_wait3A_358 = arith.constant 1 : i32
        %dma_wait3A_359 = arith.constant 0 : i32
        %dma_wait3A_360 = arith.constant 0 : i32
        %dma_wait3A_361 = tpu.memref_slice %arg10[%dma_wait3A_358, %dma_wait3A_359, %dma_wait3A_360] : memref<2x128x64xf32, #tpu.memory_space<vmem>> -> memref<1x128x64xf32, #tpu.memory_space<vmem>>
        %dma_wait3A_362 = tpu.memref_squeeze %dma_wait3A_361 : memref<1x128x64xf32, #tpu.memory_space<vmem>> -> memref<128x64xf32, #tpu.memory_space<vmem>>
        %dma_wait3A_363 = arith.constant 0 : i32
        %dma_wait3A_364 = tpu.memref_slice %arg8[%rem3A_126, %dma_wait3A_357, %dma_wait3A_363] : memref<2x16x128xi32, #tpu.memory_space<vmem>> -> memref<1x1x128xi32, #tpu.memory_space<vmem>>
        %dma_wait3A_365 = tpu.memref_squeeze %dma_wait3A_364 : memref<1x1x128xi32, #tpu.memory_space<vmem>> -> memref<128xi32, #tpu.memory_space<vmem>>
        %dma_wait3A_366 = arith.constant 0 : i32
        %dma_wait3A_367 = arith.constant 0 : i32
        %dma_wait3A_368 = tpu.memref_slice %arg6[%dma_wait3A_366, %dma_wait3A_367] : memref<10000x64xf32, #tpu.memory_space<vmem_shared>> -> memref<10000x64xf32, #tpu.memory_space<vmem_shared>>
        tpu.wait_indirect_dma semaphore(%arg11 : memref<!tpu.dma_semaphore, #tpu.memory_space<semaphore_mem>>) src(%dma_wait3A_368 : memref<10000x64xf32, #tpu.memory_space<vmem_shared>>) dst(%dma_wait3A_362 : memref<128x64xf32, #tpu.memory_space<vmem>>)
        %dma_start3A_369 = arith.constant 1 : i32
        %dma_start3A_370 = arith.constant 3 : i32
        %dma_start3A_371 = arith.constant 0 : i32
        %dma_start3A_372 = arith.constant 0 : i32
        %dma_start3A_373 = tpu.memref_slice %arg10[%dma_start3A_369, %dma_start3A_371, %dma_start3A_372] : memref<2x128x64xf32, #tpu.memory_space<vmem>> -> memref<1x128x64xf32, #tpu.memory_space<vmem>>
        %dma_start3A_374 = tpu.memref_squeeze %dma_start3A_373 : memref<1x128x64xf32, #tpu.memory_space<vmem>> -> memref<128x64xf32, #tpu.memory_space<vmem>>
        %dma_start3A_375 = arith.constant 0 : i32
        %dma_start3A_376 = tpu.memref_slice %arg9[%rem3A_126, %dma_start3A_370, %dma_start3A_375] : memref<2x16x128xi32, #tpu.memory_space<vmem>> -> memref<1x1x128xi32, #tpu.memory_space<vmem>>
        %dma_start3A_377 = tpu.memref_squeeze %dma_start3A_376 : memref<1x1x128xi32, #tpu.memory_space<vmem>> -> memref<128xi32, #tpu.memory_space<vmem>>
        %dma_start3A_378 = arith.constant 0 : i32
        %dma_start3A_379 = arith.constant 0 : i32
        %dma_start3A_380 = tpu.memref_slice %arg7[%dma_start3A_378, %dma_start3A_379] : memref<10008x64xf32, #tpu.memory_space<vmem_shared>> -> memref<10008x64xf32, #tpu.memory_space<vmem_shared>>
        tpu.enqueue_indirect_dma source(%dma_start3A_374 : memref<128x64xf32, #tpu.memory_space<vmem>>) target(%dma_start3A_380 : memref<10008x64xf32, #tpu.memory_space<vmem_shared>>) offsets(%dma_start3A_377 : memref<128xi32, #tpu.memory_space<vmem>>) semaphore(%arg12 : memref<!tpu.dma_semaphore, #tpu.memory_space<semaphore_mem>>) {add = true}
        %add3A_381 = arith.constant 1 : i32
        %add3A_382 = arith.addi %scan3A_125, %add3A_381 : i32
        %lt3A = arith.constant 10 : i32
        %lt3A_383 = arith.cmpi slt, %add3A_382, %lt3A : i32
        %convert_element_type3A_384 = arith.extui %lt3A_383 : i1 to i32
        %cond3A_385 = arith.constant 0 : i32
        %cond3A_386 = arith.cmpi ne, %convert_element_type3A_384, %cond3A_385 : i32
        scf.if %cond3A_386 {
          %add3A_915 = arith.constant 1 : i32
          %add3A_916 = arith.addi %scan3A_125, %add3A_915 : i32
          %mul3A_917 = arith.constant 16 : i32
          %mul3A_918 = arith.muli %add3A_916, %mul3A_917 : i32
          %dma_start3A_919 = arith.constant 0 : i32
          %dma_start3A_920 = arith.constant 0 : i32
          %dma_start3A_921 = tpu.memref_slice %arg8[%rem3A_130, %dma_start3A_919, %dma_start3A_920] : memref<2x16x128xi32, #tpu.memory_space<vmem>> -> memref<1x16x128xi32, #tpu.memory_space<vmem>>
          %dma_start3A_922 = tpu.memref_squeeze %dma_start3A_921 : memref<1x16x128xi32, #tpu.memory_space<vmem>> -> memref<16x128xi32, #tpu.memory_space<vmem>>
          %dma_start3A_923 = arith.constant 0 : i32
          %dma_start3A_924 = arith.constant 0 : i32
          %dma_start3A_925 = tpu.memref_slice %arg3[%arg1, %dma_start3A_923, %dma_start3A_924] : memref<16x160x128xi32, #tpu.memory_space<hbm>> -> memref<1x160x128xi32, #tpu.memory_space<hbm>>
          %dma_start3A_926 = tpu.memref_squeeze %dma_start3A_925 : memref<1x160x128xi32, #tpu.memory_space<hbm>> -> memref<160x128xi32, #tpu.memory_space<hbm>>
          %dma_start3A_927 = arith.constant 0 : i32
          %dma_start3A_928 = tpu.memref_slice %dma_start3A_926[%mul3A_918, %dma_start3A_927] : memref<160x128xi32, #tpu.memory_space<hbm>> -> memref<16x128xi32, #tpu.memory_space<hbm>>
          %dma_start3A_929 = arith.constant 0 : i32
          %dma_start3A_930 = arith.constant 0 : i32
          %dma_start3A_931 = tpu.memref_slice %arg8[%rem3A_130, %dma_start3A_929, %dma_start3A_930] : memref<2x16x128xi32, #tpu.memory_space<vmem>> -> memref<1x16x128xi32, #tpu.memory_space<vmem>>
          %dma_start3A_932 = tpu.memref_squeeze %dma_start3A_931 : memref<1x16x128xi32, #tpu.memory_space<vmem>> -> memref<16x128xi32, #tpu.memory_space<vmem>>
          %dma_start3A_933 = arith.constant 0 : i32
          %dma_start3A_934 = arith.constant 0 : i32
          %dma_start3A_935 = tpu.memref_slice %arg3[%arg1, %dma_start3A_933, %dma_start3A_934] : memref<16x160x128xi32, #tpu.memory_space<hbm>> -> memref<1x160x128xi32, #tpu.memory_space<hbm>>
          %dma_start3A_936 = tpu.memref_squeeze %dma_start3A_935 : memref<1x160x128xi32, #tpu.memory_space<hbm>> -> memref<160x128xi32, #tpu.memory_space<hbm>>
          %dma_start3A_937 = arith.constant 0 : i32
          %dma_start3A_938 = tpu.memref_slice %dma_start3A_936[%mul3A_918, %dma_start3A_937] : memref<160x128xi32, #tpu.memory_space<hbm>> -> memref<16x128xi32, #tpu.memory_space<hbm>>
          tpu.enqueue_dma source(%dma_start3A_938 : memref<16x128xi32, #tpu.memory_space<hbm>>) target(%dma_start3A_932 : memref<16x128xi32, #tpu.memory_space<vmem>>) target_semaphore(%arg13 : memref<!tpu.dma_semaphore, #tpu.memory_space<semaphore_mem>>)
          %mul3A_939 = arith.constant 16 : i32
          %mul3A_940 = arith.muli %add3A_916, %mul3A_939 : i32
          %dma_start3A_941 = arith.constant 0 : i32
          %dma_start3A_942 = arith.constant 0 : i32
          %dma_start3A_943 = tpu.memref_slice %arg9[%rem3A_130, %dma_start3A_941, %dma_start3A_942] : memref<2x16x128xi32, #tpu.memory_space<vmem>> -> memref<1x16x128xi32, #tpu.memory_space<vmem>>
          %dma_start3A_944 = tpu.memref_squeeze %dma_start3A_943 : memref<1x16x128xi32, #tpu.memory_space<vmem>> -> memref<16x128xi32, #tpu.memory_space<vmem>>
          %dma_start3A_945 = arith.constant 0 : i32
          %dma_start3A_946 = arith.constant 0 : i32
          %dma_start3A_947 = tpu.memref_slice %arg4[%arg1, %dma_start3A_945, %dma_start3A_946] : memref<16x160x128xi32, #tpu.memory_space<hbm>> -> memref<1x160x128xi32, #tpu.memory_space<hbm>>
          %dma_start3A_948 = tpu.memref_squeeze %dma_start3A_947 : memref<1x160x128xi32, #tpu.memory_space<hbm>> -> memref<160x128xi32, #tpu.memory_space<hbm>>
          %dma_start3A_949 = arith.constant 0 : i32
          %dma_start3A_950 = tpu.memref_slice %dma_start3A_948[%mul3A_940, %dma_start3A_949] : memref<160x128xi32, #tpu.memory_space<hbm>> -> memref<16x128xi32, #tpu.memory_space<hbm>>
          %dma_start3A_951 = arith.constant 0 : i32
          %dma_start3A_952 = arith.constant 0 : i32
          %dma_start3A_953 = tpu.memref_slice %arg9[%rem3A_130, %dma_start3A_951, %dma_start3A_952] : memref<2x16x128xi32, #tpu.memory_space<vmem>> -> memref<1x16x128xi32, #tpu.memory_space<vmem>>
          %dma_start3A_954 = tpu.memref_squeeze %dma_start3A_953 : memref<1x16x128xi32, #tpu.memory_space<vmem>> -> memref<16x128xi32, #tpu.memory_space<vmem>>
          %dma_start3A_955 = arith.constant 0 : i32
          %dma_start3A_956 = arith.constant 0 : i32
          %dma_start3A_957 = tpu.memref_slice %arg4[%arg1, %dma_start3A_955, %dma_start3A_956] : memref<16x160x128xi32, #tpu.memory_space<hbm>> -> memref<1x160x128xi32, #tpu.memory_space<hbm>>
          %dma_start3A_958 = tpu.memref_squeeze %dma_start3A_957 : memref<1x160x128xi32, #tpu.memory_space<hbm>> -> memref<160x128xi32, #tpu.memory_space<hbm>>
          %dma_start3A_959 = arith.constant 0 : i32
          %dma_start3A_960 = tpu.memref_slice %dma_start3A_958[%mul3A_940, %dma_start3A_959] : memref<160x128xi32, #tpu.memory_space<hbm>> -> memref<16x128xi32, #tpu.memory_space<hbm>>
          tpu.enqueue_dma source(%dma_start3A_960 : memref<16x128xi32, #tpu.memory_space<hbm>>) target(%dma_start3A_954 : memref<16x128xi32, #tpu.memory_space<vmem>>) target_semaphore(%arg13 : memref<!tpu.dma_semaphore, #tpu.memory_space<semaphore_mem>>)
        } else {
        }
        %dma_wait3A_387 = arith.constant 1 : i32
        %dma_wait3A_388 = arith.constant 3 : i32
        %dma_wait3A_389 = arith.constant 0 : i32
        %dma_wait3A_390 = arith.constant 0 : i32
        %dma_wait3A_391 = tpu.memref_slice %arg10[%dma_wait3A_387, %dma_wait3A_389, %dma_wait3A_390] : memref<2x128x64xf32, #tpu.memory_space<vmem>> -> memref<1x128x64xf32, #tpu.memory_space<vmem>>
        %dma_wait3A_392 = tpu.memref_squeeze %dma_wait3A_391 : memref<1x128x64xf32, #tpu.memory_space<vmem>> -> memref<128x64xf32, #tpu.memory_space<vmem>>
        %dma_wait3A_393 = arith.constant 0 : i32
        %dma_wait3A_394 = tpu.memref_slice %arg9[%rem3A_126, %dma_wait3A_388, %dma_wait3A_393] : memref<2x16x128xi32, #tpu.memory_space<vmem>> -> memref<1x1x128xi32, #tpu.memory_space<vmem>>
        %dma_wait3A_395 = tpu.memref_squeeze %dma_wait3A_394 : memref<1x1x128xi32, #tpu.memory_space<vmem>> -> memref<128xi32, #tpu.memory_space<vmem>>
        %dma_wait3A_396 = arith.constant 0 : i32
        %dma_wait3A_397 = arith.constant 0 : i32
        %dma_wait3A_398 = tpu.memref_slice %arg7[%dma_wait3A_396, %dma_wait3A_397] : memref<10008x64xf32, #tpu.memory_space<vmem_shared>> -> memref<10008x64xf32, #tpu.memory_space<vmem_shared>>
        tpu.wait_indirect_dma semaphore(%arg12 : memref<!tpu.dma_semaphore, #tpu.memory_space<semaphore_mem>>) src(%dma_wait3A_392 : memref<128x64xf32, #tpu.memory_space<vmem>>) dst(%dma_wait3A_398 : memref<10008x64xf32, #tpu.memory_space<vmem_shared>>)
        %dma_start3A_399 = arith.constant 5 : i32
        %dma_start3A_400 = arith.constant 1 : i32
        %dma_start3A_401 = arith.constant 0 : i32
        %dma_start3A_402 = arith.constant 0 : i32
        %dma_start3A_403 = tpu.memref_slice %arg10[%dma_start3A_400, %dma_start3A_401, %dma_start3A_402] : memref<2x128x64xf32, #tpu.memory_space<vmem>> -> memref<1x128x64xf32, #tpu.memory_space<vmem>>
        %dma_start3A_404 = tpu.memref_squeeze %dma_start3A_403 : memref<1x128x64xf32, #tpu.memory_space<vmem>> -> memref<128x64xf32, #tpu.memory_space<vmem>>
        %dma_start3A_405 = arith.constant 0 : i32
        %dma_start3A_406 = tpu.memref_slice %arg8[%rem3A_126, %dma_start3A_399, %dma_start3A_405] : memref<2x16x128xi32, #tpu.memory_space<vmem>> -> memref<1x1x128xi32, #tpu.memory_space<vmem>>
        %dma_start3A_407 = tpu.memref_squeeze %dma_start3A_406 : memref<1x1x128xi32, #tpu.memory_space<vmem>> -> memref<128xi32, #tpu.memory_space<vmem>>
        %dma_start3A_408 = arith.constant 0 : i32
        %dma_start3A_409 = arith.constant 0 : i32
        %dma_start3A_410 = tpu.memref_slice %arg6[%dma_start3A_408, %dma_start3A_409] : memref<10000x64xf32, #tpu.memory_space<vmem_shared>> -> memref<10000x64xf32, #tpu.memory_space<vmem_shared>>
        tpu.enqueue_indirect_dma source(%dma_start3A_410 : memref<10000x64xf32, #tpu.memory_space<vmem_shared>>) target(%dma_start3A_404 : memref<128x64xf32, #tpu.memory_space<vmem>>) offsets(%dma_start3A_407 : memref<128xi32, #tpu.memory_space<vmem>>) semaphore(%arg11 : memref<!tpu.dma_semaphore, #tpu.memory_space<semaphore_mem>>)
        %dma_wait3A_411 = arith.constant 4 : i32
        %dma_wait3A_412 = arith.constant 0 : i32
        %dma_wait3A_413 = arith.constant 0 : i32
        %dma_wait3A_414 = arith.constant 0 : i32
        %dma_wait3A_415 = tpu.memref_slice %arg10[%dma_wait3A_412, %dma_wait3A_413, %dma_wait3A_414] : memref<2x128x64xf32, #tpu.memory_space<vmem>> -> memref<1x128x64xf32, #tpu.memory_space<vmem>>
        %dma_wait3A_416 = tpu.memref_squeeze %dma_wait3A_415 : memref<1x128x64xf32, #tpu.memory_space<vmem>> -> memref<128x64xf32, #tpu.memory_space<vmem>>
        %dma_wait3A_417 = arith.constant 0 : i32
        %dma_wait3A_418 = tpu.memref_slice %arg8[%rem3A_126, %dma_wait3A_411, %dma_wait3A_417] : memref<2x16x128xi32, #tpu.memory_space<vmem>> -> memref<1x1x128xi32, #tpu.memory_space<vmem>>
        %dma_wait3A_419 = tpu.memref_squeeze %dma_wait3A_418 : memref<1x1x128xi32, #tpu.memory_space<vmem>> -> memref<128xi32, #tpu.memory_space<vmem>>
        %dma_wait3A_420 = arith.constant 0 : i32
        %dma_wait3A_421 = arith.constant 0 : i32
        %dma_wait3A_422 = tpu.memref_slice %arg6[%dma_wait3A_420, %dma_wait3A_421] : memref<10000x64xf32, #tpu.memory_space<vmem_shared>> -> memref<10000x64xf32, #tpu.memory_space<vmem_shared>>
        tpu.wait_indirect_dma semaphore(%arg11 : memref<!tpu.dma_semaphore, #tpu.memory_space<semaphore_mem>>) src(%dma_wait3A_422 : memref<10000x64xf32, #tpu.memory_space<vmem_shared>>) dst(%dma_wait3A_416 : memref<128x64xf32, #tpu.memory_space<vmem>>)
        %dma_start3A_423 = arith.constant 0 : i32
        %dma_start3A_424 = arith.constant 4 : i32
        %dma_start3A_425 = arith.constant 0 : i32
        %dma_start3A_426 = arith.constant 0 : i32
        %dma_start3A_427 = tpu.memref_slice %arg10[%dma_start3A_423, %dma_start3A_425, %dma_start3A_426] : memref<2x128x64xf32, #tpu.memory_space<vmem>> -> memref<1x128x64xf32, #tpu.memory_space<vmem>>
        %dma_start3A_428 = tpu.memref_squeeze %dma_start3A_427 : memref<1x128x64xf32, #tpu.memory_space<vmem>> -> memref<128x64xf32, #tpu.memory_space<vmem>>
        %dma_start3A_429 = arith.constant 0 : i32
        %dma_start3A_430 = tpu.memref_slice %arg9[%rem3A_126, %dma_start3A_424, %dma_start3A_429] : memref<2x16x128xi32, #tpu.memory_space<vmem>> -> memref<1x1x128xi32, #tpu.memory_space<vmem>>
        %dma_start3A_431 = tpu.memref_squeeze %dma_start3A_430 : memref<1x1x128xi32, #tpu.memory_space<vmem>> -> memref<128xi32, #tpu.memory_space<vmem>>
        %dma_start3A_432 = arith.constant 0 : i32
        %dma_start3A_433 = arith.constant 0 : i32
        %dma_start3A_434 = tpu.memref_slice %arg7[%dma_start3A_432, %dma_start3A_433] : memref<10008x64xf32, #tpu.memory_space<vmem_shared>> -> memref<10008x64xf32, #tpu.memory_space<vmem_shared>>
        tpu.enqueue_indirect_dma source(%dma_start3A_428 : memref<128x64xf32, #tpu.memory_space<vmem>>) target(%dma_start3A_434 : memref<10008x64xf32, #tpu.memory_space<vmem_shared>>) offsets(%dma_start3A_431 : memref<128xi32, #tpu.memory_space<vmem>>) semaphore(%arg12 : memref<!tpu.dma_semaphore, #tpu.memory_space<semaphore_mem>>) {add = true}
        %dma_wait3A_435 = arith.constant 0 : i32
        %dma_wait3A_436 = arith.constant 4 : i32
        %dma_wait3A_437 = arith.constant 0 : i32
        %dma_wait3A_438 = arith.constant 0 : i32
        %dma_wait3A_439 = tpu.memref_slice %arg10[%dma_wait3A_435, %dma_wait3A_437, %dma_wait3A_438] : memref<2x128x64xf32, #tpu.memory_space<vmem>> -> memref<1x128x64xf32, #tpu.memory_space<vmem>>
        %dma_wait3A_440 = tpu.memref_squeeze %dma_wait3A_439 : memref<1x128x64xf32, #tpu.memory_space<vmem>> -> memref<128x64xf32, #tpu.memory_space<vmem>>
        %dma_wait3A_441 = arith.constant 0 : i32
        %dma_wait3A_442 = tpu.memref_slice %arg9[%rem3A_126, %dma_wait3A_436, %dma_wait3A_441] : memref<2x16x128xi32, #tpu.memory_space<vmem>> -> memref<1x1x128xi32, #tpu.memory_space<vmem>>
        %dma_wait3A_443 = tpu.memref_squeeze %dma_wait3A_442 : memref<1x1x128xi32, #tpu.memory_space<vmem>> -> memref<128xi32, #tpu.memory_space<vmem>>
        %dma_wait3A_444 = arith.constant 0 : i32
        %dma_wait3A_445 = arith.constant 0 : i32
        %dma_wait3A_446 = tpu.memref_slice %arg7[%dma_wait3A_444, %dma_wait3A_445] : memref<10008x64xf32, #tpu.memory_space<vmem_shared>> -> memref<10008x64xf32, #tpu.memory_space<vmem_shared>>
        tpu.wait_indirect_dma semaphore(%arg12 : memref<!tpu.dma_semaphore, #tpu.memory_space<semaphore_mem>>) src(%dma_wait3A_440 : memref<128x64xf32, #tpu.memory_space<vmem>>) dst(%dma_wait3A_446 : memref<10008x64xf32, #tpu.memory_space<vmem_shared>>)
        %dma_start3A_447 = arith.constant 6 : i32
        %dma_start3A_448 = arith.constant 0 : i32
        %dma_start3A_449 = arith.constant 0 : i32
        %dma_start3A_450 = arith.constant 0 : i32
        %dma_start3A_451 = tpu.memref_slice %arg10[%dma_start3A_448, %dma_start3A_449, %dma_start3A_450] : memref<2x128x64xf32, #tpu.memory_space<vmem>> -> memref<1x128x64xf32, #tpu.memory_space<vmem>>
        %dma_start3A_452 = tpu.memref_squeeze %dma_start3A_451 : memref<1x128x64xf32, #tpu.memory_space<vmem>> -> memref<128x64xf32, #tpu.memory_space<vmem>>
        %dma_start3A_453 = arith.constant 0 : i32
        %dma_start3A_454 = tpu.memref_slice %arg8[%rem3A_126, %dma_start3A_447, %dma_start3A_453] : memref<2x16x128xi32, #tpu.memory_space<vmem>> -> memref<1x1x128xi32, #tpu.memory_space<vmem>>
        %dma_start3A_455 = tpu.memref_squeeze %dma_start3A_454 : memref<1x1x128xi32, #tpu.memory_space<vmem>> -> memref<128xi32, #tpu.memory_space<vmem>>
        %dma_start3A_456 = arith.constant 0 : i32
        %dma_start3A_457 = arith.constant 0 : i32
        %dma_start3A_458 = tpu.memref_slice %arg6[%dma_start3A_456, %dma_start3A_457] : memref<10000x64xf32, #tpu.memory_space<vmem_shared>> -> memref<10000x64xf32, #tpu.memory_space<vmem_shared>>
        tpu.enqueue_indirect_dma source(%dma_start3A_458 : memref<10000x64xf32, #tpu.memory_space<vmem_shared>>) target(%dma_start3A_452 : memref<128x64xf32, #tpu.memory_space<vmem>>) offsets(%dma_start3A_455 : memref<128xi32, #tpu.memory_space<vmem>>) semaphore(%arg11 : memref<!tpu.dma_semaphore, #tpu.memory_space<semaphore_mem>>)
        %dma_wait3A_459 = arith.constant 5 : i32
        %dma_wait3A_460 = arith.constant 1 : i32
        %dma_wait3A_461 = arith.constant 0 : i32
        %dma_wait3A_462 = arith.constant 0 : i32
        %dma_wait3A_463 = tpu.memref_slice %arg10[%dma_wait3A_460, %dma_wait3A_461, %dma_wait3A_462] : memref<2x128x64xf32, #tpu.memory_space<vmem>> -> memref<1x128x64xf32, #tpu.memory_space<vmem>>
        %dma_wait3A_464 = tpu.memref_squeeze %dma_wait3A_463 : memref<1x128x64xf32, #tpu.memory_space<vmem>> -> memref<128x64xf32, #tpu.memory_space<vmem>>
        %dma_wait3A_465 = arith.constant 0 : i32
        %dma_wait3A_466 = tpu.memref_slice %arg8[%rem3A_126, %dma_wait3A_459, %dma_wait3A_465] : memref<2x16x128xi32, #tpu.memory_space<vmem>> -> memref<1x1x128xi32, #tpu.memory_space<vmem>>
        %dma_wait3A_467 = tpu.memref_squeeze %dma_wait3A_466 : memref<1x1x128xi32, #tpu.memory_space<vmem>> -> memref<128xi32, #tpu.memory_space<vmem>>
        %dma_wait3A_468 = arith.constant 0 : i32
        %dma_wait3A_469 = arith.constant 0 : i32
        %dma_wait3A_470 = tpu.memref_slice %arg6[%dma_wait3A_468, %dma_wait3A_469] : memref<10000x64xf32, #tpu.memory_space<vmem_shared>> -> memref<10000x64xf32, #tpu.memory_space<vmem_shared>>
        tpu.wait_indirect_dma semaphore(%arg11 : memref<!tpu.dma_semaphore, #tpu.memory_space<semaphore_mem>>) src(%dma_wait3A_470 : memref<10000x64xf32, #tpu.memory_space<vmem_shared>>) dst(%dma_wait3A_464 : memref<128x64xf32, #tpu.memory_space<vmem>>)
        %dma_start3A_471 = arith.constant 1 : i32
        %dma_start3A_472 = arith.constant 5 : i32
        %dma_start3A_473 = arith.constant 0 : i32
        %dma_start3A_474 = arith.constant 0 : i32
        %dma_start3A_475 = tpu.memref_slice %arg10[%dma_start3A_471, %dma_start3A_473, %dma_start3A_474] : memref<2x128x64xf32, #tpu.memory_space<vmem>> -> memref<1x128x64xf32, #tpu.memory_space<vmem>>
        %dma_start3A_476 = tpu.memref_squeeze %dma_start3A_475 : memref<1x128x64xf32, #tpu.memory_space<vmem>> -> memref<128x64xf32, #tpu.memory_space<vmem>>
        %dma_start3A_477 = arith.constant 0 : i32
        %dma_start3A_478 = tpu.memref_slice %arg9[%rem3A_126, %dma_start3A_472, %dma_start3A_477] : memref<2x16x128xi32, #tpu.memory_space<vmem>> -> memref<1x1x128xi32, #tpu.memory_space<vmem>>
        %dma_start3A_479 = tpu.memref_squeeze %dma_start3A_478 : memref<1x1x128xi32, #tpu.memory_space<vmem>> -> memref<128xi32, #tpu.memory_space<vmem>>
        %dma_start3A_480 = arith.constant 0 : i32
        %dma_start3A_481 = arith.constant 0 : i32
        %dma_start3A_482 = tpu.memref_slice %arg7[%dma_start3A_480, %dma_start3A_481] : memref<10008x64xf32, #tpu.memory_space<vmem_shared>> -> memref<10008x64xf32, #tpu.memory_space<vmem_shared>>
        tpu.enqueue_indirect_dma source(%dma_start3A_476 : memref<128x64xf32, #tpu.memory_space<vmem>>) target(%dma_start3A_482 : memref<10008x64xf32, #tpu.memory_space<vmem_shared>>) offsets(%dma_start3A_479 : memref<128xi32, #tpu.memory_space<vmem>>) semaphore(%arg12 : memref<!tpu.dma_semaphore, #tpu.memory_space<semaphore_mem>>) {add = true}
        %dma_wait3A_483 = arith.constant 1 : i32
        %dma_wait3A_484 = arith.constant 5 : i32
        %dma_wait3A_485 = arith.constant 0 : i32
        %dma_wait3A_486 = arith.constant 0 : i32
        %dma_wait3A_487 = tpu.memref_slice %arg10[%dma_wait3A_483, %dma_wait3A_485, %dma_wait3A_486] : memref<2x128x64xf32, #tpu.memory_space<vmem>> -> memref<1x128x64xf32, #tpu.memory_space<vmem>>
        %dma_wait3A_488 = tpu.memref_squeeze %dma_wait3A_487 : memref<1x128x64xf32, #tpu.memory_space<vmem>> -> memref<128x64xf32, #tpu.memory_space<vmem>>
        %dma_wait3A_489 = arith.constant 0 : i32
        %dma_wait3A_490 = tpu.memref_slice %arg9[%rem3A_126, %dma_wait3A_484, %dma_wait3A_489] : memref<2x16x128xi32, #tpu.memory_space<vmem>> -> memref<1x1x128xi32, #tpu.memory_space<vmem>>
        %dma_wait3A_491 = tpu.memref_squeeze %dma_wait3A_490 : memref<1x1x128xi32, #tpu.memory_space<vmem>> -> memref<128xi32, #tpu.memory_space<vmem>>
        %dma_wait3A_492 = arith.constant 0 : i32
        %dma_wait3A_493 = arith.constant 0 : i32
        %dma_wait3A_494 = tpu.memref_slice %arg7[%dma_wait3A_492, %dma_wait3A_493] : memref<10008x64xf32, #tpu.memory_space<vmem_shared>> -> memref<10008x64xf32, #tpu.memory_space<vmem_shared>>
        tpu.wait_indirect_dma semaphore(%arg12 : memref<!tpu.dma_semaphore, #tpu.memory_space<semaphore_mem>>) src(%dma_wait3A_488 : memref<128x64xf32, #tpu.memory_space<vmem>>) dst(%dma_wait3A_494 : memref<10008x64xf32, #tpu.memory_space<vmem_shared>>)
        %dma_start3A_495 = arith.constant 7 : i32
        %dma_start3A_496 = arith.constant 1 : i32
        %dma_start3A_497 = arith.constant 0 : i32
        %dma_start3A_498 = arith.constant 0 : i32
        %dma_start3A_499 = tpu.memref_slice %arg10[%dma_start3A_496, %dma_start3A_497, %dma_start3A_498] : memref<2x128x64xf32, #tpu.memory_space<vmem>> -> memref<1x128x64xf32, #tpu.memory_space<vmem>>
        %dma_start3A_500 = tpu.memref_squeeze %dma_start3A_499 : memref<1x128x64xf32, #tpu.memory_space<vmem>> -> memref<128x64xf32, #tpu.memory_space<vmem>>
        %dma_start3A_501 = arith.constant 0 : i32
        %dma_start3A_502 = tpu.memref_slice %arg8[%rem3A_126, %dma_start3A_495, %dma_start3A_501] : memref<2x16x128xi32, #tpu.memory_space<vmem>> -> memref<1x1x128xi32, #tpu.memory_space<vmem>>
        %dma_start3A_503 = tpu.memref_squeeze %dma_start3A_502 : memref<1x1x128xi32, #tpu.memory_space<vmem>> -> memref<128xi32, #tpu.memory_space<vmem>>
        %dma_start3A_504 = arith.constant 0 : i32
        %dma_start3A_505 = arith.constant 0 : i32
        %dma_start3A_506 = tpu.memref_slice %arg6[%dma_start3A_504, %dma_start3A_505] : memref<10000x64xf32, #tpu.memory_space<vmem_shared>> -> memref<10000x64xf32, #tpu.memory_space<vmem_shared>>
        tpu.enqueue_indirect_dma source(%dma_start3A_506 : memref<10000x64xf32, #tpu.memory_space<vmem_shared>>) target(%dma_start3A_500 : memref<128x64xf32, #tpu.memory_space<vmem>>) offsets(%dma_start3A_503 : memref<128xi32, #tpu.memory_space<vmem>>) semaphore(%arg11 : memref<!tpu.dma_semaphore, #tpu.memory_space<semaphore_mem>>)
        %dma_wait3A_507 = arith.constant 6 : i32
        %dma_wait3A_508 = arith.constant 0 : i32
        %dma_wait3A_509 = arith.constant 0 : i32
        %dma_wait3A_510 = arith.constant 0 : i32
        %dma_wait3A_511 = tpu.memref_slice %arg10[%dma_wait3A_508, %dma_wait3A_509, %dma_wait3A_510] : memref<2x128x64xf32, #tpu.memory_space<vmem>> -> memref<1x128x64xf32, #tpu.memory_space<vmem>>
        %dma_wait3A_512 = tpu.memref_squeeze %dma_wait3A_511 : memref<1x128x64xf32, #tpu.memory_space<vmem>> -> memref<128x64xf32, #tpu.memory_space<vmem>>
        %dma_wait3A_513 = arith.constant 0 : i32
        %dma_wait3A_514 = tpu.memref_slice %arg8[%rem3A_126, %dma_wait3A_507, %dma_wait3A_513] : memref<2x16x128xi32, #tpu.memory_space<vmem>> -> memref<1x1x128xi32, #tpu.memory_space<vmem>>
        %dma_wait3A_515 = tpu.memref_squeeze %dma_wait3A_514 : memref<1x1x128xi32, #tpu.memory_space<vmem>> -> memref<128xi32, #tpu.memory_space<vmem>>
        %dma_wait3A_516 = arith.constant 0 : i32
        %dma_wait3A_517 = arith.constant 0 : i32
        %dma_wait3A_518 = tpu.memref_slice %arg6[%dma_wait3A_516, %dma_wait3A_517] : memref<10000x64xf32, #tpu.memory_space<vmem_shared>> -> memref<10000x64xf32, #tpu.memory_space<vmem_shared>>
        tpu.wait_indirect_dma semaphore(%arg11 : memref<!tpu.dma_semaphore, #tpu.memory_space<semaphore_mem>>) src(%dma_wait3A_518 : memref<10000x64xf32, #tpu.memory_space<vmem_shared>>) dst(%dma_wait3A_512 : memref<128x64xf32, #tpu.memory_space<vmem>>)
        %dma_start3A_519 = arith.constant 0 : i32
        %dma_start3A_520 = arith.constant 6 : i32
        %dma_start3A_521 = arith.constant 0 : i32
        %dma_start3A_522 = arith.constant 0 : i32
        %dma_start3A_523 = tpu.memref_slice %arg10[%dma_start3A_519, %dma_start3A_521, %dma_start3A_522] : memref<2x128x64xf32, #tpu.memory_space<vmem>> -> memref<1x128x64xf32, #tpu.memory_space<vmem>>
        %dma_start3A_524 = tpu.memref_squeeze %dma_start3A_523 : memref<1x128x64xf32, #tpu.memory_space<vmem>> -> memref<128x64xf32, #tpu.memory_space<vmem>>
        %dma_start3A_525 = arith.constant 0 : i32
        %dma_start3A_526 = tpu.memref_slice %arg9[%rem3A_126, %dma_start3A_520, %dma_start3A_525] : memref<2x16x128xi32, #tpu.memory_space<vmem>> -> memref<1x1x128xi32, #tpu.memory_space<vmem>>
        %dma_start3A_527 = tpu.memref_squeeze %dma_start3A_526 : memref<1x1x128xi32, #tpu.memory_space<vmem>> -> memref<128xi32, #tpu.memory_space<vmem>>
        %dma_start3A_528 = arith.constant 0 : i32
        %dma_start3A_529 = arith.constant 0 : i32
        %dma_start3A_530 = tpu.memref_slice %arg7[%dma_start3A_528, %dma_start3A_529] : memref<10008x64xf32, #tpu.memory_space<vmem_shared>> -> memref<10008x64xf32, #tpu.memory_space<vmem_shared>>
        tpu.enqueue_indirect_dma source(%dma_start3A_524 : memref<128x64xf32, #tpu.memory_space<vmem>>) target(%dma_start3A_530 : memref<10008x64xf32, #tpu.memory_space<vmem_shared>>) offsets(%dma_start3A_527 : memref<128xi32, #tpu.memory_space<vmem>>) semaphore(%arg12 : memref<!tpu.dma_semaphore, #tpu.memory_space<semaphore_mem>>) {add = true}
        %dma_wait3A_531 = arith.constant 0 : i32
        %dma_wait3A_532 = arith.constant 6 : i32
        %dma_wait3A_533 = arith.constant 0 : i32
        %dma_wait3A_534 = arith.constant 0 : i32
        %dma_wait3A_535 = tpu.memref_slice %arg10[%dma_wait3A_531, %dma_wait3A_533, %dma_wait3A_534] : memref<2x128x64xf32, #tpu.memory_space<vmem>> -> memref<1x128x64xf32, #tpu.memory_space<vmem>>
        %dma_wait3A_536 = tpu.memref_squeeze %dma_wait3A_535 : memref<1x128x64xf32, #tpu.memory_space<vmem>> -> memref<128x64xf32, #tpu.memory_space<vmem>>
        %dma_wait3A_537 = arith.constant 0 : i32
        %dma_wait3A_538 = tpu.memref_slice %arg9[%rem3A_126, %dma_wait3A_532, %dma_wait3A_537] : memref<2x16x128xi32, #tpu.memory_space<vmem>> -> memref<1x1x128xi32, #tpu.memory_space<vmem>>
        %dma_wait3A_539 = tpu.memref_squeeze %dma_wait3A_538 : memref<1x1x128xi32, #tpu.memory_space<vmem>> -> memref<128xi32, #tpu.memory_space<vmem>>
        %dma_wait3A_540 = arith.constant 0 : i32
        %dma_wait3A_541 = arith.constant 0 : i32
        %dma_wait3A_542 = tpu.memref_slice %arg7[%dma_wait3A_540, %dma_wait3A_541] : memref<10008x64xf32, #tpu.memory_space<vmem_shared>> -> memref<10008x64xf32, #tpu.memory_space<vmem_shared>>
        tpu.wait_indirect_dma semaphore(%arg12 : memref<!tpu.dma_semaphore, #tpu.memory_space<semaphore_mem>>) src(%dma_wait3A_536 : memref<128x64xf32, #tpu.memory_space<vmem>>) dst(%dma_wait3A_542 : memref<10008x64xf32, #tpu.memory_space<vmem_shared>>)
        %dma_start3A_543 = arith.constant 8 : i32
        %dma_start3A_544 = arith.constant 0 : i32
        %dma_start3A_545 = arith.constant 0 : i32
        %dma_start3A_546 = arith.constant 0 : i32
        %dma_start3A_547 = tpu.memref_slice %arg10[%dma_start3A_544, %dma_start3A_545, %dma_start3A_546] : memref<2x128x64xf32, #tpu.memory_space<vmem>> -> memref<1x128x64xf32, #tpu.memory_space<vmem>>
        %dma_start3A_548 = tpu.memref_squeeze %dma_start3A_547 : memref<1x128x64xf32, #tpu.memory_space<vmem>> -> memref<128x64xf32, #tpu.memory_space<vmem>>
        %dma_start3A_549 = arith.constant 0 : i32
        %dma_start3A_550 = tpu.memref_slice %arg8[%rem3A_126, %dma_start3A_543, %dma_start3A_549] : memref<2x16x128xi32, #tpu.memory_space<vmem>> -> memref<1x1x128xi32, #tpu.memory_space<vmem>>
        %dma_start3A_551 = tpu.memref_squeeze %dma_start3A_550 : memref<1x1x128xi32, #tpu.memory_space<vmem>> -> memref<128xi32, #tpu.memory_space<vmem>>
        %dma_start3A_552 = arith.constant 0 : i32
        %dma_start3A_553 = arith.constant 0 : i32
        %dma_start3A_554 = tpu.memref_slice %arg6[%dma_start3A_552, %dma_start3A_553] : memref<10000x64xf32, #tpu.memory_space<vmem_shared>> -> memref<10000x64xf32, #tpu.memory_space<vmem_shared>>
        tpu.enqueue_indirect_dma source(%dma_start3A_554 : memref<10000x64xf32, #tpu.memory_space<vmem_shared>>) target(%dma_start3A_548 : memref<128x64xf32, #tpu.memory_space<vmem>>) offsets(%dma_start3A_551 : memref<128xi32, #tpu.memory_space<vmem>>) semaphore(%arg11 : memref<!tpu.dma_semaphore, #tpu.memory_space<semaphore_mem>>)
        %dma_wait3A_555 = arith.constant 7 : i32
        %dma_wait3A_556 = arith.constant 1 : i32
        %dma_wait3A_557 = arith.constant 0 : i32
        %dma_wait3A_558 = arith.constant 0 : i32
        %dma_wait3A_559 = tpu.memref_slice %arg10[%dma_wait3A_556, %dma_wait3A_557, %dma_wait3A_558] : memref<2x128x64xf32, #tpu.memory_space<vmem>> -> memref<1x128x64xf32, #tpu.memory_space<vmem>>
        %dma_wait3A_560 = tpu.memref_squeeze %dma_wait3A_559 : memref<1x128x64xf32, #tpu.memory_space<vmem>> -> memref<128x64xf32, #tpu.memory_space<vmem>>
        %dma_wait3A_561 = arith.constant 0 : i32
        %dma_wait3A_562 = tpu.memref_slice %arg8[%rem3A_126, %dma_wait3A_555, %dma_wait3A_561] : memref<2x16x128xi32, #tpu.memory_space<vmem>> -> memref<1x1x128xi32, #tpu.memory_space<vmem>>
        %dma_wait3A_563 = tpu.memref_squeeze %dma_wait3A_562 : memref<1x1x128xi32, #tpu.memory_space<vmem>> -> memref<128xi32, #tpu.memory_space<vmem>>
        %dma_wait3A_564 = arith.constant 0 : i32
        %dma_wait3A_565 = arith.constant 0 : i32
        %dma_wait3A_566 = tpu.memref_slice %arg6[%dma_wait3A_564, %dma_wait3A_565] : memref<10000x64xf32, #tpu.memory_space<vmem_shared>> -> memref<10000x64xf32, #tpu.memory_space<vmem_shared>>
        tpu.wait_indirect_dma semaphore(%arg11 : memref<!tpu.dma_semaphore, #tpu.memory_space<semaphore_mem>>) src(%dma_wait3A_566 : memref<10000x64xf32, #tpu.memory_space<vmem_shared>>) dst(%dma_wait3A_560 : memref<128x64xf32, #tpu.memory_space<vmem>>)
        %dma_start3A_567 = arith.constant 1 : i32
        %dma_start3A_568 = arith.constant 7 : i32
        %dma_start3A_569 = arith.constant 0 : i32
        %dma_start3A_570 = arith.constant 0 : i32
        %dma_start3A_571 = tpu.memref_slice %arg10[%dma_start3A_567, %dma_start3A_569, %dma_start3A_570] : memref<2x128x64xf32, #tpu.memory_space<vmem>> -> memref<1x128x64xf32, #tpu.memory_space<vmem>>
        %dma_start3A_572 = tpu.memref_squeeze %dma_start3A_571 : memref<1x128x64xf32, #tpu.memory_space<vmem>> -> memref<128x64xf32, #tpu.memory_space<vmem>>
        %dma_start3A_573 = arith.constant 0 : i32
        %dma_start3A_574 = tpu.memref_slice %arg9[%rem3A_126, %dma_start3A_568, %dma_start3A_573] : memref<2x16x128xi32, #tpu.memory_space<vmem>> -> memref<1x1x128xi32, #tpu.memory_space<vmem>>
        %dma_start3A_575 = tpu.memref_squeeze %dma_start3A_574 : memref<1x1x128xi32, #tpu.memory_space<vmem>> -> memref<128xi32, #tpu.memory_space<vmem>>
        %dma_start3A_576 = arith.constant 0 : i32
        %dma_start3A_577 = arith.constant 0 : i32
        %dma_start3A_578 = tpu.memref_slice %arg7[%dma_start3A_576, %dma_start3A_577] : memref<10008x64xf32, #tpu.memory_space<vmem_shared>> -> memref<10008x64xf32, #tpu.memory_space<vmem_shared>>
        tpu.enqueue_indirect_dma source(%dma_start3A_572 : memref<128x64xf32, #tpu.memory_space<vmem>>) target(%dma_start3A_578 : memref<10008x64xf32, #tpu.memory_space<vmem_shared>>) offsets(%dma_start3A_575 : memref<128xi32, #tpu.memory_space<vmem>>) semaphore(%arg12 : memref<!tpu.dma_semaphore, #tpu.memory_space<semaphore_mem>>) {add = true}
        %dma_wait3A_579 = arith.constant 1 : i32
        %dma_wait3A_580 = arith.constant 7 : i32
        %dma_wait3A_581 = arith.constant 0 : i32
        %dma_wait3A_582 = arith.constant 0 : i32
        %dma_wait3A_583 = tpu.memref_slice %arg10[%dma_wait3A_579, %dma_wait3A_581, %dma_wait3A_582] : memref<2x128x64xf32, #tpu.memory_space<vmem>> -> memref<1x128x64xf32, #tpu.memory_space<vmem>>
        %dma_wait3A_584 = tpu.memref_squeeze %dma_wait3A_583 : memref<1x128x64xf32, #tpu.memory_space<vmem>> -> memref<128x64xf32, #tpu.memory_space<vmem>>
        %dma_wait3A_585 = arith.constant 0 : i32
        %dma_wait3A_586 = tpu.memref_slice %arg9[%rem3A_126, %dma_wait3A_580, %dma_wait3A_585] : memref<2x16x128xi32, #tpu.memory_space<vmem>> -> memref<1x1x128xi32, #tpu.memory_space<vmem>>
        %dma_wait3A_587 = tpu.memref_squeeze %dma_wait3A_586 : memref<1x1x128xi32, #tpu.memory_space<vmem>> -> memref<128xi32, #tpu.memory_space<vmem>>
        %dma_wait3A_588 = arith.constant 0 : i32
        %dma_wait3A_589 = arith.constant 0 : i32
        %dma_wait3A_590 = tpu.memref_slice %arg7[%dma_wait3A_588, %dma_wait3A_589] : memref<10008x64xf32, #tpu.memory_space<vmem_shared>> -> memref<10008x64xf32, #tpu.memory_space<vmem_shared>>
        tpu.wait_indirect_dma semaphore(%arg12 : memref<!tpu.dma_semaphore, #tpu.memory_space<semaphore_mem>>) src(%dma_wait3A_584 : memref<128x64xf32, #tpu.memory_space<vmem>>) dst(%dma_wait3A_590 : memref<10008x64xf32, #tpu.memory_space<vmem_shared>>)
        %dma_start3A_591 = arith.constant 9 : i32
        %dma_start3A_592 = arith.constant 1 : i32
        %dma_start3A_593 = arith.constant 0 : i32
        %dma_start3A_594 = arith.constant 0 : i32
        %dma_start3A_595 = tpu.memref_slice %arg10[%dma_start3A_592, %dma_start3A_593, %dma_start3A_594] : memref<2x128x64xf32, #tpu.memory_space<vmem>> -> memref<1x128x64xf32, #tpu.memory_space<vmem>>
        %dma_start3A_596 = tpu.memref_squeeze %dma_start3A_595 : memref<1x128x64xf32, #tpu.memory_space<vmem>> -> memref<128x64xf32, #tpu.memory_space<vmem>>
        %dma_start3A_597 = arith.constant 0 : i32
        %dma_start3A_598 = tpu.memref_slice %arg8[%rem3A_126, %dma_start3A_591, %dma_start3A_597] : memref<2x16x128xi32, #tpu.memory_space<vmem>> -> memref<1x1x128xi32, #tpu.memory_space<vmem>>
        %dma_start3A_599 = tpu.memref_squeeze %dma_start3A_598 : memref<1x1x128xi32, #tpu.memory_space<vmem>> -> memref<128xi32, #tpu.memory_space<vmem>>
        %dma_start3A_600 = arith.constant 0 : i32
        %dma_start3A_601 = arith.constant 0 : i32
        %dma_start3A_602 = tpu.memref_slice %arg6[%dma_start3A_600, %dma_start3A_601] : memref<10000x64xf32, #tpu.memory_space<vmem_shared>> -> memref<10000x64xf32, #tpu.memory_space<vmem_shared>>
        tpu.enqueue_indirect_dma source(%dma_start3A_602 : memref<10000x64xf32, #tpu.memory_space<vmem_shared>>) target(%dma_start3A_596 : memref<128x64xf32, #tpu.memory_space<vmem>>) offsets(%dma_start3A_599 : memref<128xi32, #tpu.memory_space<vmem>>) semaphore(%arg11 : memref<!tpu.dma_semaphore, #tpu.memory_space<semaphore_mem>>)
        %dma_wait3A_603 = arith.constant 8 : i32
        %dma_wait3A_604 = arith.constant 0 : i32
        %dma_wait3A_605 = arith.constant 0 : i32
        %dma_wait3A_606 = arith.constant 0 : i32
        %dma_wait3A_607 = tpu.memref_slice %arg10[%dma_wait3A_604, %dma_wait3A_605, %dma_wait3A_606] : memref<2x128x64xf32, #tpu.memory_space<vmem>> -> memref<1x128x64xf32, #tpu.memory_space<vmem>>
        %dma_wait3A_608 = tpu.memref_squeeze %dma_wait3A_607 : memref<1x128x64xf32, #tpu.memory_space<vmem>> -> memref<128x64xf32, #tpu.memory_space<vmem>>
        %dma_wait3A_609 = arith.constant 0 : i32
        %dma_wait3A_610 = tpu.memref_slice %arg8[%rem3A_126, %dma_wait3A_603, %dma_wait3A_609] : memref<2x16x128xi32, #tpu.memory_space<vmem>> -> memref<1x1x128xi32, #tpu.memory_space<vmem>>
        %dma_wait3A_611 = tpu.memref_squeeze %dma_wait3A_610 : memref<1x1x128xi32, #tpu.memory_space<vmem>> -> memref<128xi32, #tpu.memory_space<vmem>>
        %dma_wait3A_612 = arith.constant 0 : i32
        %dma_wait3A_613 = arith.constant 0 : i32
        %dma_wait3A_614 = tpu.memref_slice %arg6[%dma_wait3A_612, %dma_wait3A_613] : memref<10000x64xf32, #tpu.memory_space<vmem_shared>> -> memref<10000x64xf32, #tpu.memory_space<vmem_shared>>
        tpu.wait_indirect_dma semaphore(%arg11 : memref<!tpu.dma_semaphore, #tpu.memory_space<semaphore_mem>>) src(%dma_wait3A_614 : memref<10000x64xf32, #tpu.memory_space<vmem_shared>>) dst(%dma_wait3A_608 : memref<128x64xf32, #tpu.memory_space<vmem>>)
        %dma_start3A_615 = arith.constant 0 : i32
        %dma_start3A_616 = arith.constant 8 : i32
        %dma_start3A_617 = arith.constant 0 : i32
        %dma_start3A_618 = arith.constant 0 : i32
        %dma_start3A_619 = tpu.memref_slice %arg10[%dma_start3A_615, %dma_start3A_617, %dma_start3A_618] : memref<2x128x64xf32, #tpu.memory_space<vmem>> -> memref<1x128x64xf32, #tpu.memory_space<vmem>>
        %dma_start3A_620 = tpu.memref_squeeze %dma_start3A_619 : memref<1x128x64xf32, #tpu.memory_space<vmem>> -> memref<128x64xf32, #tpu.memory_space<vmem>>
        %dma_start3A_621 = arith.constant 0 : i32
        %dma_start3A_622 = tpu.memref_slice %arg9[%rem3A_126, %dma_start3A_616, %dma_start3A_621] : memref<2x16x128xi32, #tpu.memory_space<vmem>> -> memref<1x1x128xi32, #tpu.memory_space<vmem>>
        %dma_start3A_623 = tpu.memref_squeeze %dma_start3A_622 : memref<1x1x128xi32, #tpu.memory_space<vmem>> -> memref<128xi32, #tpu.memory_space<vmem>>
        %dma_start3A_624 = arith.constant 0 : i32
        %dma_start3A_625 = arith.constant 0 : i32
        %dma_start3A_626 = tpu.memref_slice %arg7[%dma_start3A_624, %dma_start3A_625] : memref<10008x64xf32, #tpu.memory_space<vmem_shared>> -> memref<10008x64xf32, #tpu.memory_space<vmem_shared>>
        tpu.enqueue_indirect_dma source(%dma_start3A_620 : memref<128x64xf32, #tpu.memory_space<vmem>>) target(%dma_start3A_626 : memref<10008x64xf32, #tpu.memory_space<vmem_shared>>) offsets(%dma_start3A_623 : memref<128xi32, #tpu.memory_space<vmem>>) semaphore(%arg12 : memref<!tpu.dma_semaphore, #tpu.memory_space<semaphore_mem>>) {add = true}
        %dma_wait3A_627 = arith.constant 0 : i32
        %dma_wait3A_628 = arith.constant 8 : i32
        %dma_wait3A_629 = arith.constant 0 : i32
        %dma_wait3A_630 = arith.constant 0 : i32
        %dma_wait3A_631 = tpu.memref_slice %arg10[%dma_wait3A_627, %dma_wait3A_629, %dma_wait3A_630] : memref<2x128x64xf32, #tpu.memory_space<vmem>> -> memref<1x128x64xf32, #tpu.memory_space<vmem>>
        %dma_wait3A_632 = tpu.memref_squeeze %dma_wait3A_631 : memref<1x128x64xf32, #tpu.memory_space<vmem>> -> memref<128x64xf32, #tpu.memory_space<vmem>>
        %dma_wait3A_633 = arith.constant 0 : i32
        %dma_wait3A_634 = tpu.memref_slice %arg9[%rem3A_126, %dma_wait3A_628, %dma_wait3A_633] : memref<2x16x128xi32, #tpu.memory_space<vmem>> -> memref<1x1x128xi32, #tpu.memory_space<vmem>>
        %dma_wait3A_635 = tpu.memref_squeeze %dma_wait3A_634 : memref<1x1x128xi32, #tpu.memory_space<vmem>> -> memref<128xi32, #tpu.memory_space<vmem>>
        %dma_wait3A_636 = arith.constant 0 : i32
        %dma_wait3A_637 = arith.constant 0 : i32
        %dma_wait3A_638 = tpu.memref_slice %arg7[%dma_wait3A_636, %dma_wait3A_637] : memref<10008x64xf32, #tpu.memory_space<vmem_shared>> -> memref<10008x64xf32, #tpu.memory_space<vmem_shared>>
        tpu.wait_indirect_dma semaphore(%arg12 : memref<!tpu.dma_semaphore, #tpu.memory_space<semaphore_mem>>) src(%dma_wait3A_632 : memref<128x64xf32, #tpu.memory_space<vmem>>) dst(%dma_wait3A_638 : memref<10008x64xf32, #tpu.memory_space<vmem_shared>>)
        %dma_start3A_639 = arith.constant 10 : i32
        %dma_start3A_640 = arith.constant 0 : i32
        %dma_start3A_641 = arith.constant 0 : i32
        %dma_start3A_642 = arith.constant 0 : i32
        %dma_start3A_643 = tpu.memref_slice %arg10[%dma_start3A_640, %dma_start3A_641, %dma_start3A_642] : memref<2x128x64xf32, #tpu.memory_space<vmem>> -> memref<1x128x64xf32, #tpu.memory_space<vmem>>
        %dma_start3A_644 = tpu.memref_squeeze %dma_start3A_643 : memref<1x128x64xf32, #tpu.memory_space<vmem>> -> memref<128x64xf32, #tpu.memory_space<vmem>>
        %dma_start3A_645 = arith.constant 0 : i32
        %dma_start3A_646 = tpu.memref_slice %arg8[%rem3A_126, %dma_start3A_639, %dma_start3A_645] : memref<2x16x128xi32, #tpu.memory_space<vmem>> -> memref<1x1x128xi32, #tpu.memory_space<vmem>>
        %dma_start3A_647 = tpu.memref_squeeze %dma_start3A_646 : memref<1x1x128xi32, #tpu.memory_space<vmem>> -> memref<128xi32, #tpu.memory_space<vmem>>
        %dma_start3A_648 = arith.constant 0 : i32
        %dma_start3A_649 = arith.constant 0 : i32
        %dma_start3A_650 = tpu.memref_slice %arg6[%dma_start3A_648, %dma_start3A_649] : memref<10000x64xf32, #tpu.memory_space<vmem_shared>> -> memref<10000x64xf32, #tpu.memory_space<vmem_shared>>
        tpu.enqueue_indirect_dma source(%dma_start3A_650 : memref<10000x64xf32, #tpu.memory_space<vmem_shared>>) target(%dma_start3A_644 : memref<128x64xf32, #tpu.memory_space<vmem>>) offsets(%dma_start3A_647 : memref<128xi32, #tpu.memory_space<vmem>>) semaphore(%arg11 : memref<!tpu.dma_semaphore, #tpu.memory_space<semaphore_mem>>)
        %dma_wait3A_651 = arith.constant 9 : i32
        %dma_wait3A_652 = arith.constant 1 : i32
        %dma_wait3A_653 = arith.constant 0 : i32
        %dma_wait3A_654 = arith.constant 0 : i32
        %dma_wait3A_655 = tpu.memref_slice %arg10[%dma_wait3A_652, %dma_wait3A_653, %dma_wait3A_654] : memref<2x128x64xf32, #tpu.memory_space<vmem>> -> memref<1x128x64xf32, #tpu.memory_space<vmem>>
        %dma_wait3A_656 = tpu.memref_squeeze %dma_wait3A_655 : memref<1x128x64xf32, #tpu.memory_space<vmem>> -> memref<128x64xf32, #tpu.memory_space<vmem>>
        %dma_wait3A_657 = arith.constant 0 : i32
        %dma_wait3A_658 = tpu.memref_slice %arg8[%rem3A_126, %dma_wait3A_651, %dma_wait3A_657] : memref<2x16x128xi32, #tpu.memory_space<vmem>> -> memref<1x1x128xi32, #tpu.memory_space<vmem>>
        %dma_wait3A_659 = tpu.memref_squeeze %dma_wait3A_658 : memref<1x1x128xi32, #tpu.memory_space<vmem>> -> memref<128xi32, #tpu.memory_space<vmem>>
        %dma_wait3A_660 = arith.constant 0 : i32
        %dma_wait3A_661 = arith.constant 0 : i32
        %dma_wait3A_662 = tpu.memref_slice %arg6[%dma_wait3A_660, %dma_wait3A_661] : memref<10000x64xf32, #tpu.memory_space<vmem_shared>> -> memref<10000x64xf32, #tpu.memory_space<vmem_shared>>
        tpu.wait_indirect_dma semaphore(%arg11 : memref<!tpu.dma_semaphore, #tpu.memory_space<semaphore_mem>>) src(%dma_wait3A_662 : memref<10000x64xf32, #tpu.memory_space<vmem_shared>>) dst(%dma_wait3A_656 : memref<128x64xf32, #tpu.memory_space<vmem>>)
        %dma_start3A_663 = arith.constant 1 : i32
        %dma_start3A_664 = arith.constant 9 : i32
        %dma_start3A_665 = arith.constant 0 : i32
        %dma_start3A_666 = arith.constant 0 : i32
        %dma_start3A_667 = tpu.memref_slice %arg10[%dma_start3A_663, %dma_start3A_665, %dma_start3A_666] : memref<2x128x64xf32, #tpu.memory_space<vmem>> -> memref<1x128x64xf32, #tpu.memory_space<vmem>>
        %dma_start3A_668 = tpu.memref_squeeze %dma_start3A_667 : memref<1x128x64xf32, #tpu.memory_space<vmem>> -> memref<128x64xf32, #tpu.memory_space<vmem>>
        %dma_start3A_669 = arith.constant 0 : i32
        %dma_start3A_670 = tpu.memref_slice %arg9[%rem3A_126, %dma_start3A_664, %dma_start3A_669] : memref<2x16x128xi32, #tpu.memory_space<vmem>> -> memref<1x1x128xi32, #tpu.memory_space<vmem>>
        %dma_start3A_671 = tpu.memref_squeeze %dma_start3A_670 : memref<1x1x128xi32, #tpu.memory_space<vmem>> -> memref<128xi32, #tpu.memory_space<vmem>>
        %dma_start3A_672 = arith.constant 0 : i32
        %dma_start3A_673 = arith.constant 0 : i32
        %dma_start3A_674 = tpu.memref_slice %arg7[%dma_start3A_672, %dma_start3A_673] : memref<10008x64xf32, #tpu.memory_space<vmem_shared>> -> memref<10008x64xf32, #tpu.memory_space<vmem_shared>>
        tpu.enqueue_indirect_dma source(%dma_start3A_668 : memref<128x64xf32, #tpu.memory_space<vmem>>) target(%dma_start3A_674 : memref<10008x64xf32, #tpu.memory_space<vmem_shared>>) offsets(%dma_start3A_671 : memref<128xi32, #tpu.memory_space<vmem>>) semaphore(%arg12 : memref<!tpu.dma_semaphore, #tpu.memory_space<semaphore_mem>>) {add = true}
        %dma_wait3A_675 = arith.constant 1 : i32
        %dma_wait3A_676 = arith.constant 9 : i32
        %dma_wait3A_677 = arith.constant 0 : i32
        %dma_wait3A_678 = arith.constant 0 : i32
        %dma_wait3A_679 = tpu.memref_slice %arg10[%dma_wait3A_675, %dma_wait3A_677, %dma_wait3A_678] : memref<2x128x64xf32, #tpu.memory_space<vmem>> -> memref<1x128x64xf32, #tpu.memory_space<vmem>>
        %dma_wait3A_680 = tpu.memref_squeeze %dma_wait3A_679 : memref<1x128x64xf32, #tpu.memory_space<vmem>> -> memref<128x64xf32, #tpu.memory_space<vmem>>
        %dma_wait3A_681 = arith.constant 0 : i32
        %dma_wait3A_682 = tpu.memref_slice %arg9[%rem3A_126, %dma_wait3A_676, %dma_wait3A_681] : memref<2x16x128xi32, #tpu.memory_space<vmem>> -> memref<1x1x128xi32, #tpu.memory_space<vmem>>
        %dma_wait3A_683 = tpu.memref_squeeze %dma_wait3A_682 : memref<1x1x128xi32, #tpu.memory_space<vmem>> -> memref<128xi32, #tpu.memory_space<vmem>>
        %dma_wait3A_684 = arith.constant 0 : i32
        %dma_wait3A_685 = arith.constant 0 : i32
        %dma_wait3A_686 = tpu.memref_slice %arg7[%dma_wait3A_684, %dma_wait3A_685] : memref<10008x64xf32, #tpu.memory_space<vmem_shared>> -> memref<10008x64xf32, #tpu.memory_space<vmem_shared>>
        tpu.wait_indirect_dma semaphore(%arg12 : memref<!tpu.dma_semaphore, #tpu.memory_space<semaphore_mem>>) src(%dma_wait3A_680 : memref<128x64xf32, #tpu.memory_space<vmem>>) dst(%dma_wait3A_686 : memref<10008x64xf32, #tpu.memory_space<vmem_shared>>)
        %dma_start3A_687 = arith.constant 11 : i32
        %dma_start3A_688 = arith.constant 1 : i32
        %dma_start3A_689 = arith.constant 0 : i32
        %dma_start3A_690 = arith.constant 0 : i32
        %dma_start3A_691 = tpu.memref_slice %arg10[%dma_start3A_688, %dma_start3A_689, %dma_start3A_690] : memref<2x128x64xf32, #tpu.memory_space<vmem>> -> memref<1x128x64xf32, #tpu.memory_space<vmem>>
        %dma_start3A_692 = tpu.memref_squeeze %dma_start3A_691 : memref<1x128x64xf32, #tpu.memory_space<vmem>> -> memref<128x64xf32, #tpu.memory_space<vmem>>
        %dma_start3A_693 = arith.constant 0 : i32
        %dma_start3A_694 = tpu.memref_slice %arg8[%rem3A_126, %dma_start3A_687, %dma_start3A_693] : memref<2x16x128xi32, #tpu.memory_space<vmem>> -> memref<1x1x128xi32, #tpu.memory_space<vmem>>
        %dma_start3A_695 = tpu.memref_squeeze %dma_start3A_694 : memref<1x1x128xi32, #tpu.memory_space<vmem>> -> memref<128xi32, #tpu.memory_space<vmem>>
        %dma_start3A_696 = arith.constant 0 : i32
        %dma_start3A_697 = arith.constant 0 : i32
        %dma_start3A_698 = tpu.memref_slice %arg6[%dma_start3A_696, %dma_start3A_697] : memref<10000x64xf32, #tpu.memory_space<vmem_shared>> -> memref<10000x64xf32, #tpu.memory_space<vmem_shared>>
        tpu.enqueue_indirect_dma source(%dma_start3A_698 : memref<10000x64xf32, #tpu.memory_space<vmem_shared>>) target(%dma_start3A_692 : memref<128x64xf32, #tpu.memory_space<vmem>>) offsets(%dma_start3A_695 : memref<128xi32, #tpu.memory_space<vmem>>) semaphore(%arg11 : memref<!tpu.dma_semaphore, #tpu.memory_space<semaphore_mem>>)
        %dma_wait3A_699 = arith.constant 10 : i32
        %dma_wait3A_700 = arith.constant 0 : i32
        %dma_wait3A_701 = arith.constant 0 : i32
        %dma_wait3A_702 = arith.constant 0 : i32
        %dma_wait3A_703 = tpu.memref_slice %arg10[%dma_wait3A_700, %dma_wait3A_701, %dma_wait3A_702] : memref<2x128x64xf32, #tpu.memory_space<vmem>> -> memref<1x128x64xf32, #tpu.memory_space<vmem>>
        %dma_wait3A_704 = tpu.memref_squeeze %dma_wait3A_703 : memref<1x128x64xf32, #tpu.memory_space<vmem>> -> memref<128x64xf32, #tpu.memory_space<vmem>>
        %dma_wait3A_705 = arith.constant 0 : i32
        %dma_wait3A_706 = tpu.memref_slice %arg8[%rem3A_126, %dma_wait3A_699, %dma_wait3A_705] : memref<2x16x128xi32, #tpu.memory_space<vmem>> -> memref<1x1x128xi32, #tpu.memory_space<vmem>>
        %dma_wait3A_707 = tpu.memref_squeeze %dma_wait3A_706 : memref<1x1x128xi32, #tpu.memory_space<vmem>> -> memref<128xi32, #tpu.memory_space<vmem>>
        %dma_wait3A_708 = arith.constant 0 : i32
        %dma_wait3A_709 = arith.constant 0 : i32
        %dma_wait3A_710 = tpu.memref_slice %arg6[%dma_wait3A_708, %dma_wait3A_709] : memref<10000x64xf32, #tpu.memory_space<vmem_shared>> -> memref<10000x64xf32, #tpu.memory_space<vmem_shared>>
        tpu.wait_indirect_dma semaphore(%arg11 : memref<!tpu.dma_semaphore, #tpu.memory_space<semaphore_mem>>) src(%dma_wait3A_710 : memref<10000x64xf32, #tpu.memory_space<vmem_shared>>) dst(%dma_wait3A_704 : memref<128x64xf32, #tpu.memory_space<vmem>>)
        %dma_start3A_711 = arith.constant 0 : i32
        %dma_start3A_712 = arith.constant 10 : i32
        %dma_start3A_713 = arith.constant 0 : i32
        %dma_start3A_714 = arith.constant 0 : i32
        %dma_start3A_715 = tpu.memref_slice %arg10[%dma_start3A_711, %dma_start3A_713, %dma_start3A_714] : memref<2x128x64xf32, #tpu.memory_space<vmem>> -> memref<1x128x64xf32, #tpu.memory_space<vmem>>
        %dma_start3A_716 = tpu.memref_squeeze %dma_start3A_715 : memref<1x128x64xf32, #tpu.memory_space<vmem>> -> memref<128x64xf32, #tpu.memory_space<vmem>>
        %dma_start3A_717 = arith.constant 0 : i32
        %dma_start3A_718 = tpu.memref_slice %arg9[%rem3A_126, %dma_start3A_712, %dma_start3A_717] : memref<2x16x128xi32, #tpu.memory_space<vmem>> -> memref<1x1x128xi32, #tpu.memory_space<vmem>>
        %dma_start3A_719 = tpu.memref_squeeze %dma_start3A_718 : memref<1x1x128xi32, #tpu.memory_space<vmem>> -> memref<128xi32, #tpu.memory_space<vmem>>
        %dma_start3A_720 = arith.constant 0 : i32
        %dma_start3A_721 = arith.constant 0 : i32
        %dma_start3A_722 = tpu.memref_slice %arg7[%dma_start3A_720, %dma_start3A_721] : memref<10008x64xf32, #tpu.memory_space<vmem_shared>> -> memref<10008x64xf32, #tpu.memory_space<vmem_shared>>
        tpu.enqueue_indirect_dma source(%dma_start3A_716 : memref<128x64xf32, #tpu.memory_space<vmem>>) target(%dma_start3A_722 : memref<10008x64xf32, #tpu.memory_space<vmem_shared>>) offsets(%dma_start3A_719 : memref<128xi32, #tpu.memory_space<vmem>>) semaphore(%arg12 : memref<!tpu.dma_semaphore, #tpu.memory_space<semaphore_mem>>) {add = true}
        %dma_wait3A_723 = arith.constant 0 : i32
        %dma_wait3A_724 = arith.constant 10 : i32
        %dma_wait3A_725 = arith.constant 0 : i32
        %dma_wait3A_726 = arith.constant 0 : i32
        %dma_wait3A_727 = tpu.memref_slice %arg10[%dma_wait3A_723, %dma_wait3A_725, %dma_wait3A_726] : memref<2x128x64xf32, #tpu.memory_space<vmem>> -> memref<1x128x64xf32, #tpu.memory_space<vmem>>
        %dma_wait3A_728 = tpu.memref_squeeze %dma_wait3A_727 : memref<1x128x64xf32, #tpu.memory_space<vmem>> -> memref<128x64xf32, #tpu.memory_space<vmem>>
        %dma_wait3A_729 = arith.constant 0 : i32
        %dma_wait3A_730 = tpu.memref_slice %arg9[%rem3A_126, %dma_wait3A_724, %dma_wait3A_729] : memref<2x16x128xi32, #tpu.memory_space<vmem>> -> memref<1x1x128xi32, #tpu.memory_space<vmem>>
        %dma_wait3A_731 = tpu.memref_squeeze %dma_wait3A_730 : memref<1x1x128xi32, #tpu.memory_space<vmem>> -> memref<128xi32, #tpu.memory_space<vmem>>
        %dma_wait3A_732 = arith.constant 0 : i32
        %dma_wait3A_733 = arith.constant 0 : i32
        %dma_wait3A_734 = tpu.memref_slice %arg7[%dma_wait3A_732, %dma_wait3A_733] : memref<10008x64xf32, #tpu.memory_space<vmem_shared>> -> memref<10008x64xf32, #tpu.memory_space<vmem_shared>>
        tpu.wait_indirect_dma semaphore(%arg12 : memref<!tpu.dma_semaphore, #tpu.memory_space<semaphore_mem>>) src(%dma_wait3A_728 : memref<128x64xf32, #tpu.memory_space<vmem>>) dst(%dma_wait3A_734 : memref<10008x64xf32, #tpu.memory_space<vmem_shared>>)
        %dma_start3A_735 = arith.constant 12 : i32
        %dma_start3A_736 = arith.constant 0 : i32
        %dma_start3A_737 = arith.constant 0 : i32
        %dma_start3A_738 = arith.constant 0 : i32
        %dma_start3A_739 = tpu.memref_slice %arg10[%dma_start3A_736, %dma_start3A_737, %dma_start3A_738] : memref<2x128x64xf32, #tpu.memory_space<vmem>> -> memref<1x128x64xf32, #tpu.memory_space<vmem>>
        %dma_start3A_740 = tpu.memref_squeeze %dma_start3A_739 : memref<1x128x64xf32, #tpu.memory_space<vmem>> -> memref<128x64xf32, #tpu.memory_space<vmem>>
        %dma_start3A_741 = arith.constant 0 : i32
        %dma_start3A_742 = tpu.memref_slice %arg8[%rem3A_126, %dma_start3A_735, %dma_start3A_741] : memref<2x16x128xi32, #tpu.memory_space<vmem>> -> memref<1x1x128xi32, #tpu.memory_space<vmem>>
        %dma_start3A_743 = tpu.memref_squeeze %dma_start3A_742 : memref<1x1x128xi32, #tpu.memory_space<vmem>> -> memref<128xi32, #tpu.memory_space<vmem>>
        %dma_start3A_744 = arith.constant 0 : i32
        %dma_start3A_745 = arith.constant 0 : i32
        %dma_start3A_746 = tpu.memref_slice %arg6[%dma_start3A_744, %dma_start3A_745] : memref<10000x64xf32, #tpu.memory_space<vmem_shared>> -> memref<10000x64xf32, #tpu.memory_space<vmem_shared>>
        tpu.enqueue_indirect_dma source(%dma_start3A_746 : memref<10000x64xf32, #tpu.memory_space<vmem_shared>>) target(%dma_start3A_740 : memref<128x64xf32, #tpu.memory_space<vmem>>) offsets(%dma_start3A_743 : memref<128xi32, #tpu.memory_space<vmem>>) semaphore(%arg11 : memref<!tpu.dma_semaphore, #tpu.memory_space<semaphore_mem>>)
        %dma_wait3A_747 = arith.constant 11 : i32
        %dma_wait3A_748 = arith.constant 1 : i32
        %dma_wait3A_749 = arith.constant 0 : i32
        %dma_wait3A_750 = arith.constant 0 : i32
        %dma_wait3A_751 = tpu.memref_slice %arg10[%dma_wait3A_748, %dma_wait3A_749, %dma_wait3A_750] : memref<2x128x64xf32, #tpu.memory_space<vmem>> -> memref<1x128x64xf32, #tpu.memory_space<vmem>>
        %dma_wait3A_752 = tpu.memref_squeeze %dma_wait3A_751 : memref<1x128x64xf32, #tpu.memory_space<vmem>> -> memref<128x64xf32, #tpu.memory_space<vmem>>
        %dma_wait3A_753 = arith.constant 0 : i32
        %dma_wait3A_754 = tpu.memref_slice %arg8[%rem3A_126, %dma_wait3A_747, %dma_wait3A_753] : memref<2x16x128xi32, #tpu.memory_space<vmem>> -> memref<1x1x128xi32, #tpu.memory_space<vmem>>
        %dma_wait3A_755 = tpu.memref_squeeze %dma_wait3A_754 : memref<1x1x128xi32, #tpu.memory_space<vmem>> -> memref<128xi32, #tpu.memory_space<vmem>>
        %dma_wait3A_756 = arith.constant 0 : i32
        %dma_wait3A_757 = arith.constant 0 : i32
        %dma_wait3A_758 = tpu.memref_slice %arg6[%dma_wait3A_756, %dma_wait3A_757] : memref<10000x64xf32, #tpu.memory_space<vmem_shared>> -> memref<10000x64xf32, #tpu.memory_space<vmem_shared>>
        tpu.wait_indirect_dma semaphore(%arg11 : memref<!tpu.dma_semaphore, #tpu.memory_space<semaphore_mem>>) src(%dma_wait3A_758 : memref<10000x64xf32, #tpu.memory_space<vmem_shared>>) dst(%dma_wait3A_752 : memref<128x64xf32, #tpu.memory_space<vmem>>)
        %dma_start3A_759 = arith.constant 1 : i32
        %dma_start3A_760 = arith.constant 11 : i32
        %dma_start3A_761 = arith.constant 0 : i32
        %dma_start3A_762 = arith.constant 0 : i32
        %dma_start3A_763 = tpu.memref_slice %arg10[%dma_start3A_759, %dma_start3A_761, %dma_start3A_762] : memref<2x128x64xf32, #tpu.memory_space<vmem>> -> memref<1x128x64xf32, #tpu.memory_space<vmem>>
        %dma_start3A_764 = tpu.memref_squeeze %dma_start3A_763 : memref<1x128x64xf32, #tpu.memory_space<vmem>> -> memref<128x64xf32, #tpu.memory_space<vmem>>
        %dma_start3A_765 = arith.constant 0 : i32
        %dma_start3A_766 = tpu.memref_slice %arg9[%rem3A_126, %dma_start3A_760, %dma_start3A_765] : memref<2x16x128xi32, #tpu.memory_space<vmem>> -> memref<1x1x128xi32, #tpu.memory_space<vmem>>
        %dma_start3A_767 = tpu.memref_squeeze %dma_start3A_766 : memref<1x1x128xi32, #tpu.memory_space<vmem>> -> memref<128xi32, #tpu.memory_space<vmem>>
        %dma_start3A_768 = arith.constant 0 : i32
        %dma_start3A_769 = arith.constant 0 : i32
        %dma_start3A_770 = tpu.memref_slice %arg7[%dma_start3A_768, %dma_start3A_769] : memref<10008x64xf32, #tpu.memory_space<vmem_shared>> -> memref<10008x64xf32, #tpu.memory_space<vmem_shared>>
        tpu.enqueue_indirect_dma source(%dma_start3A_764 : memref<128x64xf32, #tpu.memory_space<vmem>>) target(%dma_start3A_770 : memref<10008x64xf32, #tpu.memory_space<vmem_shared>>) offsets(%dma_start3A_767 : memref<128xi32, #tpu.memory_space<vmem>>) semaphore(%arg12 : memref<!tpu.dma_semaphore, #tpu.memory_space<semaphore_mem>>) {add = true}
        %dma_wait3A_771 = arith.constant 1 : i32
        %dma_wait3A_772 = arith.constant 11 : i32
        %dma_wait3A_773 = arith.constant 0 : i32
        %dma_wait3A_774 = arith.constant 0 : i32
        %dma_wait3A_775 = tpu.memref_slice %arg10[%dma_wait3A_771, %dma_wait3A_773, %dma_wait3A_774] : memref<2x128x64xf32, #tpu.memory_space<vmem>> -> memref<1x128x64xf32, #tpu.memory_space<vmem>>
        %dma_wait3A_776 = tpu.memref_squeeze %dma_wait3A_775 : memref<1x128x64xf32, #tpu.memory_space<vmem>> -> memref<128x64xf32, #tpu.memory_space<vmem>>
        %dma_wait3A_777 = arith.constant 0 : i32
        %dma_wait3A_778 = tpu.memref_slice %arg9[%rem3A_126, %dma_wait3A_772, %dma_wait3A_777] : memref<2x16x128xi32, #tpu.memory_space<vmem>> -> memref<1x1x128xi32, #tpu.memory_space<vmem>>
        %dma_wait3A_779 = tpu.memref_squeeze %dma_wait3A_778 : memref<1x1x128xi32, #tpu.memory_space<vmem>> -> memref<128xi32, #tpu.memory_space<vmem>>
        %dma_wait3A_780 = arith.constant 0 : i32
        %dma_wait3A_781 = arith.constant 0 : i32
        %dma_wait3A_782 = tpu.memref_slice %arg7[%dma_wait3A_780, %dma_wait3A_781] : memref<10008x64xf32, #tpu.memory_space<vmem_shared>> -> memref<10008x64xf32, #tpu.memory_space<vmem_shared>>
        tpu.wait_indirect_dma semaphore(%arg12 : memref<!tpu.dma_semaphore, #tpu.memory_space<semaphore_mem>>) src(%dma_wait3A_776 : memref<128x64xf32, #tpu.memory_space<vmem>>) dst(%dma_wait3A_782 : memref<10008x64xf32, #tpu.memory_space<vmem_shared>>)
        %dma_start3A_783 = arith.constant 13 : i32
        %dma_start3A_784 = arith.constant 1 : i32
        %dma_start3A_785 = arith.constant 0 : i32
        %dma_start3A_786 = arith.constant 0 : i32
        %dma_start3A_787 = tpu.memref_slice %arg10[%dma_start3A_784, %dma_start3A_785, %dma_start3A_786] : memref<2x128x64xf32, #tpu.memory_space<vmem>> -> memref<1x128x64xf32, #tpu.memory_space<vmem>>
        %dma_start3A_788 = tpu.memref_squeeze %dma_start3A_787 : memref<1x128x64xf32, #tpu.memory_space<vmem>> -> memref<128x64xf32, #tpu.memory_space<vmem>>
        %dma_start3A_789 = arith.constant 0 : i32
        %dma_start3A_790 = tpu.memref_slice %arg8[%rem3A_126, %dma_start3A_783, %dma_start3A_789] : memref<2x16x128xi32, #tpu.memory_space<vmem>> -> memref<1x1x128xi32, #tpu.memory_space<vmem>>
        %dma_start3A_791 = tpu.memref_squeeze %dma_start3A_790 : memref<1x1x128xi32, #tpu.memory_space<vmem>> -> memref<128xi32, #tpu.memory_space<vmem>>
        %dma_start3A_792 = arith.constant 0 : i32
        %dma_start3A_793 = arith.constant 0 : i32
        %dma_start3A_794 = tpu.memref_slice %arg6[%dma_start3A_792, %dma_start3A_793] : memref<10000x64xf32, #tpu.memory_space<vmem_shared>> -> memref<10000x64xf32, #tpu.memory_space<vmem_shared>>
        tpu.enqueue_indirect_dma source(%dma_start3A_794 : memref<10000x64xf32, #tpu.memory_space<vmem_shared>>) target(%dma_start3A_788 : memref<128x64xf32, #tpu.memory_space<vmem>>) offsets(%dma_start3A_791 : memref<128xi32, #tpu.memory_space<vmem>>) semaphore(%arg11 : memref<!tpu.dma_semaphore, #tpu.memory_space<semaphore_mem>>)
        %dma_wait3A_795 = arith.constant 12 : i32
        %dma_wait3A_796 = arith.constant 0 : i32
        %dma_wait3A_797 = arith.constant 0 : i32
        %dma_wait3A_798 = arith.constant 0 : i32
        %dma_wait3A_799 = tpu.memref_slice %arg10[%dma_wait3A_796, %dma_wait3A_797, %dma_wait3A_798] : memref<2x128x64xf32, #tpu.memory_space<vmem>> -> memref<1x128x64xf32, #tpu.memory_space<vmem>>
        %dma_wait3A_800 = tpu.memref_squeeze %dma_wait3A_799 : memref<1x128x64xf32, #tpu.memory_space<vmem>> -> memref<128x64xf32, #tpu.memory_space<vmem>>
        %dma_wait3A_801 = arith.constant 0 : i32
        %dma_wait3A_802 = tpu.memref_slice %arg8[%rem3A_126, %dma_wait3A_795, %dma_wait3A_801] : memref<2x16x128xi32, #tpu.memory_space<vmem>> -> memref<1x1x128xi32, #tpu.memory_space<vmem>>
        %dma_wait3A_803 = tpu.memref_squeeze %dma_wait3A_802 : memref<1x1x128xi32, #tpu.memory_space<vmem>> -> memref<128xi32, #tpu.memory_space<vmem>>
        %dma_wait3A_804 = arith.constant 0 : i32
        %dma_wait3A_805 = arith.constant 0 : i32
        %dma_wait3A_806 = tpu.memref_slice %arg6[%dma_wait3A_804, %dma_wait3A_805] : memref<10000x64xf32, #tpu.memory_space<vmem_shared>> -> memref<10000x64xf32, #tpu.memory_space<vmem_shared>>
        tpu.wait_indirect_dma semaphore(%arg11 : memref<!tpu.dma_semaphore, #tpu.memory_space<semaphore_mem>>) src(%dma_wait3A_806 : memref<10000x64xf32, #tpu.memory_space<vmem_shared>>) dst(%dma_wait3A_800 : memref<128x64xf32, #tpu.memory_space<vmem>>)
        %dma_start3A_807 = arith.constant 0 : i32
        %dma_start3A_808 = arith.constant 12 : i32
        %dma_start3A_809 = arith.constant 0 : i32
        %dma_start3A_810 = arith.constant 0 : i32
        %dma_start3A_811 = tpu.memref_slice %arg10[%dma_start3A_807, %dma_start3A_809, %dma_start3A_810] : memref<2x128x64xf32, #tpu.memory_space<vmem>> -> memref<1x128x64xf32, #tpu.memory_space<vmem>>
        %dma_start3A_812 = tpu.memref_squeeze %dma_start3A_811 : memref<1x128x64xf32, #tpu.memory_space<vmem>> -> memref<128x64xf32, #tpu.memory_space<vmem>>
        %dma_start3A_813 = arith.constant 0 : i32
        %dma_start3A_814 = tpu.memref_slice %arg9[%rem3A_126, %dma_start3A_808, %dma_start3A_813] : memref<2x16x128xi32, #tpu.memory_space<vmem>> -> memref<1x1x128xi32, #tpu.memory_space<vmem>>
        %dma_start3A_815 = tpu.memref_squeeze %dma_start3A_814 : memref<1x1x128xi32, #tpu.memory_space<vmem>> -> memref<128xi32, #tpu.memory_space<vmem>>
        %dma_start3A_816 = arith.constant 0 : i32
        %dma_start3A_817 = arith.constant 0 : i32
        %dma_start3A_818 = tpu.memref_slice %arg7[%dma_start3A_816, %dma_start3A_817] : memref<10008x64xf32, #tpu.memory_space<vmem_shared>> -> memref<10008x64xf32, #tpu.memory_space<vmem_shared>>
        tpu.enqueue_indirect_dma source(%dma_start3A_812 : memref<128x64xf32, #tpu.memory_space<vmem>>) target(%dma_start3A_818 : memref<10008x64xf32, #tpu.memory_space<vmem_shared>>) offsets(%dma_start3A_815 : memref<128xi32, #tpu.memory_space<vmem>>) semaphore(%arg12 : memref<!tpu.dma_semaphore, #tpu.memory_space<semaphore_mem>>) {add = true}
        %dma_wait3A_819 = arith.constant 0 : i32
        %dma_wait3A_820 = arith.constant 12 : i32
        %dma_wait3A_821 = arith.constant 0 : i32
        %dma_wait3A_822 = arith.constant 0 : i32
        %dma_wait3A_823 = tpu.memref_slice %arg10[%dma_wait3A_819, %dma_wait3A_821, %dma_wait3A_822] : memref<2x128x64xf32, #tpu.memory_space<vmem>> -> memref<1x128x64xf32, #tpu.memory_space<vmem>>
        %dma_wait3A_824 = tpu.memref_squeeze %dma_wait3A_823 : memref<1x128x64xf32, #tpu.memory_space<vmem>> -> memref<128x64xf32, #tpu.memory_space<vmem>>
        %dma_wait3A_825 = arith.constant 0 : i32
        %dma_wait3A_826 = tpu.memref_slice %arg9[%rem3A_126, %dma_wait3A_820, %dma_wait3A_825] : memref<2x16x128xi32, #tpu.memory_space<vmem>> -> memref<1x1x128xi32, #tpu.memory_space<vmem>>
        %dma_wait3A_827 = tpu.memref_squeeze %dma_wait3A_826 : memref<1x1x128xi32, #tpu.memory_space<vmem>> -> memref<128xi32, #tpu.memory_space<vmem>>
        %dma_wait3A_828 = arith.constant 0 : i32
        %dma_wait3A_829 = arith.constant 0 : i32
        %dma_wait3A_830 = tpu.memref_slice %arg7[%dma_wait3A_828, %dma_wait3A_829] : memref<10008x64xf32, #tpu.memory_space<vmem_shared>> -> memref<10008x64xf32, #tpu.memory_space<vmem_shared>>
        tpu.wait_indirect_dma semaphore(%arg12 : memref<!tpu.dma_semaphore, #tpu.memory_space<semaphore_mem>>) src(%dma_wait3A_824 : memref<128x64xf32, #tpu.memory_space<vmem>>) dst(%dma_wait3A_830 : memref<10008x64xf32, #tpu.memory_space<vmem_shared>>)
        %dma_start3A_831 = arith.constant 14 : i32
        %dma_start3A_832 = arith.constant 0 : i32
        %dma_start3A_833 = arith.constant 0 : i32
        %dma_start3A_834 = arith.constant 0 : i32
        %dma_start3A_835 = tpu.memref_slice %arg10[%dma_start3A_832, %dma_start3A_833, %dma_start3A_834] : memref<2x128x64xf32, #tpu.memory_space<vmem>> -> memref<1x128x64xf32, #tpu.memory_space<vmem>>
        %dma_start3A_836 = tpu.memref_squeeze %dma_start3A_835 : memref<1x128x64xf32, #tpu.memory_space<vmem>> -> memref<128x64xf32, #tpu.memory_space<vmem>>
        %dma_start3A_837 = arith.constant 0 : i32
        %dma_start3A_838 = tpu.memref_slice %arg8[%rem3A_126, %dma_start3A_831, %dma_start3A_837] : memref<2x16x128xi32, #tpu.memory_space<vmem>> -> memref<1x1x128xi32, #tpu.memory_space<vmem>>
        %dma_start3A_839 = tpu.memref_squeeze %dma_start3A_838 : memref<1x1x128xi32, #tpu.memory_space<vmem>> -> memref<128xi32, #tpu.memory_space<vmem>>
        %dma_start3A_840 = arith.constant 0 : i32
        %dma_start3A_841 = arith.constant 0 : i32
        %dma_start3A_842 = tpu.memref_slice %arg6[%dma_start3A_840, %dma_start3A_841] : memref<10000x64xf32, #tpu.memory_space<vmem_shared>> -> memref<10000x64xf32, #tpu.memory_space<vmem_shared>>
        tpu.enqueue_indirect_dma source(%dma_start3A_842 : memref<10000x64xf32, #tpu.memory_space<vmem_shared>>) target(%dma_start3A_836 : memref<128x64xf32, #tpu.memory_space<vmem>>) offsets(%dma_start3A_839 : memref<128xi32, #tpu.memory_space<vmem>>) semaphore(%arg11 : memref<!tpu.dma_semaphore, #tpu.memory_space<semaphore_mem>>)
        %dma_wait3A_843 = arith.constant 13 : i32
        %dma_wait3A_844 = arith.constant 1 : i32
        %dma_wait3A_845 = arith.constant 0 : i32
        %dma_wait3A_846 = arith.constant 0 : i32
        %dma_wait3A_847 = tpu.memref_slice %arg10[%dma_wait3A_844, %dma_wait3A_845, %dma_wait3A_846] : memref<2x128x64xf32, #tpu.memory_space<vmem>> -> memref<1x128x64xf32, #tpu.memory_space<vmem>>
        %dma_wait3A_848 = tpu.memref_squeeze %dma_wait3A_847 : memref<1x128x64xf32, #tpu.memory_space<vmem>> -> memref<128x64xf32, #tpu.memory_space<vmem>>
        %dma_wait3A_849 = arith.constant 0 : i32
        %dma_wait3A_850 = tpu.memref_slice %arg8[%rem3A_126, %dma_wait3A_843, %dma_wait3A_849] : memref<2x16x128xi32, #tpu.memory_space<vmem>> -> memref<1x1x128xi32, #tpu.memory_space<vmem>>
        %dma_wait3A_851 = tpu.memref_squeeze %dma_wait3A_850 : memref<1x1x128xi32, #tpu.memory_space<vmem>> -> memref<128xi32, #tpu.memory_space<vmem>>
        %dma_wait3A_852 = arith.constant 0 : i32
        %dma_wait3A_853 = arith.constant 0 : i32
        %dma_wait3A_854 = tpu.memref_slice %arg6[%dma_wait3A_852, %dma_wait3A_853] : memref<10000x64xf32, #tpu.memory_space<vmem_shared>> -> memref<10000x64xf32, #tpu.memory_space<vmem_shared>>
        tpu.wait_indirect_dma semaphore(%arg11 : memref<!tpu.dma_semaphore, #tpu.memory_space<semaphore_mem>>) src(%dma_wait3A_854 : memref<10000x64xf32, #tpu.memory_space<vmem_shared>>) dst(%dma_wait3A_848 : memref<128x64xf32, #tpu.memory_space<vmem>>)
        %dma_start3A_855 = arith.constant 1 : i32
        %dma_start3A_856 = arith.constant 13 : i32
        %dma_start3A_857 = arith.constant 0 : i32
        %dma_start3A_858 = arith.constant 0 : i32
        %dma_start3A_859 = tpu.memref_slice %arg10[%dma_start3A_855, %dma_start3A_857, %dma_start3A_858] : memref<2x128x64xf32, #tpu.memory_space<vmem>> -> memref<1x128x64xf32, #tpu.memory_space<vmem>>
        %dma_start3A_860 = tpu.memref_squeeze %dma_start3A_859 : memref<1x128x64xf32, #tpu.memory_space<vmem>> -> memref<128x64xf32, #tpu.memory_space<vmem>>
        %dma_start3A_861 = arith.constant 0 : i32
        %dma_start3A_862 = tpu.memref_slice %arg9[%rem3A_126, %dma_start3A_856, %dma_start3A_861] : memref<2x16x128xi32, #tpu.memory_space<vmem>> -> memref<1x1x128xi32, #tpu.memory_space<vmem>>
        %dma_start3A_863 = tpu.memref_squeeze %dma_start3A_862 : memref<1x1x128xi32, #tpu.memory_space<vmem>> -> memref<128xi32, #tpu.memory_space<vmem>>
        %dma_start3A_864 = arith.constant 0 : i32
        %dma_start3A_865 = arith.constant 0 : i32
        %dma_start3A_866 = tpu.memref_slice %arg7[%dma_start3A_864, %dma_start3A_865] : memref<10008x64xf32, #tpu.memory_space<vmem_shared>> -> memref<10008x64xf32, #tpu.memory_space<vmem_shared>>
        tpu.enqueue_indirect_dma source(%dma_start3A_860 : memref<128x64xf32, #tpu.memory_space<vmem>>) target(%dma_start3A_866 : memref<10008x64xf32, #tpu.memory_space<vmem_shared>>) offsets(%dma_start3A_863 : memref<128xi32, #tpu.memory_space<vmem>>) semaphore(%arg12 : memref<!tpu.dma_semaphore, #tpu.memory_space<semaphore_mem>>) {add = true}
        %dma_wait3A_867 = arith.constant 1 : i32
        %dma_wait3A_868 = arith.constant 13 : i32
        %dma_wait3A_869 = arith.constant 0 : i32
        %dma_wait3A_870 = arith.constant 0 : i32
        %dma_wait3A_871 = tpu.memref_slice %arg10[%dma_wait3A_867, %dma_wait3A_869, %dma_wait3A_870] : memref<2x128x64xf32, #tpu.memory_space<vmem>> -> memref<1x128x64xf32, #tpu.memory_space<vmem>>
        %dma_wait3A_872 = tpu.memref_squeeze %dma_wait3A_871 : memref<1x128x64xf32, #tpu.memory_space<vmem>> -> memref<128x64xf32, #tpu.memory_space<vmem>>
        %dma_wait3A_873 = arith.constant 0 : i32
        %dma_wait3A_874 = tpu.memref_slice %arg9[%rem3A_126, %dma_wait3A_868, %dma_wait3A_873] : memref<2x16x128xi32, #tpu.memory_space<vmem>> -> memref<1x1x128xi32, #tpu.memory_space<vmem>>
        %dma_wait3A_875 = tpu.memref_squeeze %dma_wait3A_874 : memref<1x1x128xi32, #tpu.memory_space<vmem>> -> memref<128xi32, #tpu.memory_space<vmem>>
        %dma_wait3A_876 = arith.constant 0 : i32
        %dma_wait3A_877 = arith.constant 0 : i32
        %dma_wait3A_878 = tpu.memref_slice %arg7[%dma_wait3A_876, %dma_wait3A_877] : memref<10008x64xf32, #tpu.memory_space<vmem_shared>> -> memref<10008x64xf32, #tpu.memory_space<vmem_shared>>
        tpu.wait_indirect_dma semaphore(%arg12 : memref<!tpu.dma_semaphore, #tpu.memory_space<semaphore_mem>>) src(%dma_wait3A_872 : memref<128x64xf32, #tpu.memory_space<vmem>>) dst(%dma_wait3A_878 : memref<10008x64xf32, #tpu.memory_space<vmem_shared>>)
        %dma_start3A_879 = arith.constant 15 : i32
        %dma_start3A_880 = arith.constant 1 : i32
        %dma_start3A_881 = arith.constant 0 : i32
        %dma_start3A_882 = arith.constant 0 : i32
        %dma_start3A_883 = tpu.memref_slice %arg10[%dma_start3A_880, %dma_start3A_881, %dma_start3A_882] : memref<2x128x64xf32, #tpu.memory_space<vmem>> -> memref<1x128x64xf32, #tpu.memory_space<vmem>>
        %dma_start3A_884 = tpu.memref_squeeze %dma_start3A_883 : memref<1x128x64xf32, #tpu.memory_space<vmem>> -> memref<128x64xf32, #tpu.memory_space<vmem>>
        %dma_start3A_885 = arith.constant 0 : i32
        %dma_start3A_886 = tpu.memref_slice %arg8[%rem3A_126, %dma_start3A_879, %dma_start3A_885] : memref<2x16x128xi32, #tpu.memory_space<vmem>> -> memref<1x1x128xi32, #tpu.memory_space<vmem>>
        %dma_start3A_887 = tpu.memref_squeeze %dma_start3A_886 : memref<1x1x128xi32, #tpu.memory_space<vmem>> -> memref<128xi32, #tpu.memory_space<vmem>>
        %dma_start3A_888 = arith.constant 0 : i32
        %dma_start3A_889 = arith.constant 0 : i32
        %dma_start3A_890 = tpu.memref_slice %arg6[%dma_start3A_888, %dma_start3A_889] : memref<10000x64xf32, #tpu.memory_space<vmem_shared>> -> memref<10000x64xf32, #tpu.memory_space<vmem_shared>>
        tpu.enqueue_indirect_dma source(%dma_start3A_890 : memref<10000x64xf32, #tpu.memory_space<vmem_shared>>) target(%dma_start3A_884 : memref<128x64xf32, #tpu.memory_space<vmem>>) offsets(%dma_start3A_887 : memref<128xi32, #tpu.memory_space<vmem>>) semaphore(%arg11 : memref<!tpu.dma_semaphore, #tpu.memory_space<semaphore_mem>>)
        %dma_wait3A_891 = arith.constant 14 : i32
        %dma_wait3A_892 = arith.constant 0 : i32
        %dma_wait3A_893 = arith.constant 0 : i32
        %dma_wait3A_894 = arith.constant 0 : i32
        %dma_wait3A_895 = tpu.memref_slice %arg10[%dma_wait3A_892, %dma_wait3A_893, %dma_wait3A_894] : memref<2x128x64xf32, #tpu.memory_space<vmem>> -> memref<1x128x64xf32, #tpu.memory_space<vmem>>
        %dma_wait3A_896 = tpu.memref_squeeze %dma_wait3A_895 : memref<1x128x64xf32, #tpu.memory_space<vmem>> -> memref<128x64xf32, #tpu.memory_space<vmem>>
        %dma_wait3A_897 = arith.constant 0 : i32
        %dma_wait3A_898 = tpu.memref_slice %arg8[%rem3A_126, %dma_wait3A_891, %dma_wait3A_897] : memref<2x16x128xi32, #tpu.memory_space<vmem>> -> memref<1x1x128xi32, #tpu.memory_space<vmem>>
        %dma_wait3A_899 = tpu.memref_squeeze %dma_wait3A_898 : memref<1x1x128xi32, #tpu.memory_space<vmem>> -> memref<128xi32, #tpu.memory_space<vmem>>
        %dma_wait3A_900 = arith.constant 0 : i32
        %dma_wait3A_901 = arith.constant 0 : i32
        %dma_wait3A_902 = tpu.memref_slice %arg6[%dma_wait3A_900, %dma_wait3A_901] : memref<10000x64xf32, #tpu.memory_space<vmem_shared>> -> memref<10000x64xf32, #tpu.memory_space<vmem_shared>>
        tpu.wait_indirect_dma semaphore(%arg11 : memref<!tpu.dma_semaphore, #tpu.memory_space<semaphore_mem>>) src(%dma_wait3A_902 : memref<10000x64xf32, #tpu.memory_space<vmem_shared>>) dst(%dma_wait3A_896 : memref<128x64xf32, #tpu.memory_space<vmem>>)
        %dma_start3A_903 = arith.constant 0 : i32
        %dma_start3A_904 = arith.constant 14 : i32
        %dma_start3A_905 = arith.constant 0 : i32
        %dma_start3A_906 = arith.constant 0 : i32
        %dma_start3A_907 = tpu.memref_slice %arg10[%dma_start3A_903, %dma_start3A_905, %dma_start3A_906] : memref<2x128x64xf32, #tpu.memory_space<vmem>> -> memref<1x128x64xf32, #tpu.memory_space<vmem>>
        %dma_start3A_908 = tpu.memref_squeeze %dma_start3A_907 : memref<1x128x64xf32, #tpu.memory_space<vmem>> -> memref<128x64xf32, #tpu.memory_space<vmem>>
        %dma_start3A_909 = arith.constant 0 : i32
        %dma_start3A_910 = tpu.memref_slice %arg9[%rem3A_126, %dma_start3A_904, %dma_start3A_909] : memref<2x16x128xi32, #tpu.memory_space<vmem>> -> memref<1x1x128xi32, #tpu.memory_space<vmem>>
        %dma_start3A_911 = tpu.memref_squeeze %dma_start3A_910 : memref<1x1x128xi32, #tpu.memory_space<vmem>> -> memref<128xi32, #tpu.memory_space<vmem>>
        %dma_start3A_912 = arith.constant 0 : i32
        %dma_start3A_913 = arith.constant 0 : i32
        %dma_start3A_914 = tpu.memref_slice %arg7[%dma_start3A_912, %dma_start3A_913] : memref<10008x64xf32, #tpu.memory_space<vmem_shared>> -> memref<10008x64xf32, #tpu.memory_space<vmem_shared>>
        tpu.enqueue_indirect_dma source(%dma_start3A_908 : memref<128x64xf32, #tpu.memory_space<vmem>>) target(%dma_start3A_914 : memref<10008x64xf32, #tpu.memory_space<vmem_shared>>) offsets(%dma_start3A_911 : memref<128xi32, #tpu.memory_space<vmem>>) semaphore(%arg12 : memref<!tpu.dma_semaphore, #tpu.memory_space<semaphore_mem>>) {add = true}
      }
      %scan3A_66 = arith.constant 10 : i32
      %dma_wait3A = arith.constant 1 : i32
      %dma_wait3A_67 = arith.constant 15 : i32
      %dma_wait3A_68 = arith.constant 1 : i32
      %dma_wait3A_69 = arith.constant 0 : i32
      %dma_wait3A_70 = arith.constant 0 : i32
      %dma_wait3A_71 = tpu.memref_slice %arg10[%dma_wait3A_68, %dma_wait3A_69, %dma_wait3A_70] : memref<2x128x64xf32, #tpu.memory_space<vmem>> -> memref<1x128x64xf32, #tpu.memory_space<vmem>>
      %dma_wait3A_72 = tpu.memref_squeeze %dma_wait3A_71 : memref<1x128x64xf32, #tpu.memory_space<vmem>> -> memref<128x64xf32, #tpu.memory_space<vmem>>
      %dma_wait3A_73 = arith.constant 0 : i32
      %dma_wait3A_74 = tpu.memref_slice %arg8[%dma_wait3A, %dma_wait3A_67, %dma_wait3A_73] : memref<2x16x128xi32, #tpu.memory_space<vmem>> -> memref<1x1x128xi32, #tpu.memory_space<vmem>>
      %dma_wait3A_75 = tpu.memref_squeeze %dma_wait3A_74 : memref<1x1x128xi32, #tpu.memory_space<vmem>> -> memref<128xi32, #tpu.memory_space<vmem>>
      %dma_wait3A_76 = arith.constant 0 : i32
      %dma_wait3A_77 = arith.constant 0 : i32
      %dma_wait3A_78 = tpu.memref_slice %arg6[%dma_wait3A_76, %dma_wait3A_77] : memref<10000x64xf32, #tpu.memory_space<vmem_shared>> -> memref<10000x64xf32, #tpu.memory_space<vmem_shared>>
      tpu.wait_indirect_dma semaphore(%arg11 : memref<!tpu.dma_semaphore, #tpu.memory_space<semaphore_mem>>) src(%dma_wait3A_78 : memref<10000x64xf32, #tpu.memory_space<vmem_shared>>) dst(%dma_wait3A_72 : memref<128x64xf32, #tpu.memory_space<vmem>>)
      %dma_start3A_79 = arith.constant 1 : i32
      %dma_start3A_80 = arith.constant 1 : i32
      %dma_start3A_81 = arith.constant 15 : i32
      %dma_start3A_82 = arith.constant 0 : i32
      %dma_start3A_83 = arith.constant 0 : i32
      %dma_start3A_84 = tpu.memref_slice %arg10[%dma_start3A_79, %dma_start3A_82, %dma_start3A_83] : memref<2x128x64xf32, #tpu.memory_space<vmem>> -> memref<1x128x64xf32, #tpu.memory_space<vmem>>
      %dma_start3A_85 = tpu.memref_squeeze %dma_start3A_84 : memref<1x128x64xf32, #tpu.memory_space<vmem>> -> memref<128x64xf32, #tpu.memory_space<vmem>>
      %dma_start3A_86 = arith.constant 0 : i32
      %dma_start3A_87 = tpu.memref_slice %arg9[%dma_start3A_80, %dma_start3A_81, %dma_start3A_86] : memref<2x16x128xi32, #tpu.memory_space<vmem>> -> memref<1x1x128xi32, #tpu.memory_space<vmem>>
      %dma_start3A_88 = tpu.memref_squeeze %dma_start3A_87 : memref<1x1x128xi32, #tpu.memory_space<vmem>> -> memref<128xi32, #tpu.memory_space<vmem>>
      %dma_start3A_89 = arith.constant 0 : i32
      %dma_start3A_90 = arith.constant 0 : i32
      %dma_start3A_91 = tpu.memref_slice %arg7[%dma_start3A_89, %dma_start3A_90] : memref<10008x64xf32, #tpu.memory_space<vmem_shared>> -> memref<10008x64xf32, #tpu.memory_space<vmem_shared>>
      tpu.enqueue_indirect_dma source(%dma_start3A_85 : memref<128x64xf32, #tpu.memory_space<vmem>>) target(%dma_start3A_91 : memref<10008x64xf32, #tpu.memory_space<vmem_shared>>) offsets(%dma_start3A_88 : memref<128xi32, #tpu.memory_space<vmem>>) semaphore(%arg12 : memref<!tpu.dma_semaphore, #tpu.memory_space<semaphore_mem>>) {add = true}
      %dma_wait3A_92 = arith.constant 0 : i32
      %dma_wait3A_93 = arith.constant 1 : i32
      %dma_wait3A_94 = arith.constant 14 : i32
      %dma_wait3A_95 = arith.constant 0 : i32
      %dma_wait3A_96 = arith.constant 0 : i32
      %dma_wait3A_97 = tpu.memref_slice %arg10[%dma_wait3A_92, %dma_wait3A_95, %dma_wait3A_96] : memref<2x128x64xf32, #tpu.memory_space<vmem>> -> memref<1x128x64xf32, #tpu.memory_space<vmem>>
      %dma_wait3A_98 = tpu.memref_squeeze %dma_wait3A_97 : memref<1x128x64xf32, #tpu.memory_space<vmem>> -> memref<128x64xf32, #tpu.memory_space<vmem>>
      %dma_wait3A_99 = arith.constant 0 : i32
      %dma_wait3A_100 = tpu.memref_slice %arg9[%dma_wait3A_93, %dma_wait3A_94, %dma_wait3A_99] : memref<2x16x128xi32, #tpu.memory_space<vmem>> -> memref<1x1x128xi32, #tpu.memory_space<vmem>>
      %dma_wait3A_101 = tpu.memref_squeeze %dma_wait3A_100 : memref<1x1x128xi32, #tpu.memory_space<vmem>> -> memref<128xi32, #tpu.memory_space<vmem>>
      %dma_wait3A_102 = arith.constant 0 : i32
      %dma_wait3A_103 = arith.constant 0 : i32
      %dma_wait3A_104 = tpu.memref_slice %arg7[%dma_wait3A_102, %dma_wait3A_103] : memref<10008x64xf32, #tpu.memory_space<vmem_shared>> -> memref<10008x64xf32, #tpu.memory_space<vmem_shared>>
      tpu.wait_indirect_dma semaphore(%arg12 : memref<!tpu.dma_semaphore, #tpu.memory_space<semaphore_mem>>) src(%dma_wait3A_98 : memref<128x64xf32, #tpu.memory_space<vmem>>) dst(%dma_wait3A_104 : memref<10008x64xf32, #tpu.memory_space<vmem_shared>>)
      %dma_wait3A_105 = arith.constant 1 : i32
      %dma_wait3A_106 = arith.constant 1 : i32
      %dma_wait3A_107 = arith.constant 15 : i32
      %dma_wait3A_108 = arith.constant 0 : i32
      %dma_wait3A_109 = arith.constant 0 : i32
      %dma_wait3A_110 = tpu.memref_slice %arg10[%dma_wait3A_105, %dma_wait3A_108, %dma_wait3A_109] : memref<2x128x64xf32, #tpu.memory_space<vmem>> -> memref<1x128x64xf32, #tpu.memory_space<vmem>>
      %dma_wait3A_111 = tpu.memref_squeeze %dma_wait3A_110 : memref<1x128x64xf32, #tpu.memory_space<vmem>> -> memref<128x64xf32, #tpu.memory_space<vmem>>
      %dma_wait3A_112 = arith.constant 0 : i32
      %dma_wait3A_113 = tpu.memref_slice %arg9[%dma_wait3A_106, %dma_wait3A_107, %dma_wait3A_112] : memref<2x16x128xi32, #tpu.memory_space<vmem>> -> memref<1x1x128xi32, #tpu.memory_space<vmem>>
      %dma_wait3A_114 = tpu.memref_squeeze %dma_wait3A_113 : memref<1x1x128xi32, #tpu.memory_space<vmem>> -> memref<128xi32, #tpu.memory_space<vmem>>
      %dma_wait3A_115 = arith.constant 0 : i32
      %dma_wait3A_116 = arith.constant 0 : i32
      %dma_wait3A_117 = tpu.memref_slice %arg7[%dma_wait3A_115, %dma_wait3A_116] : memref<10008x64xf32, #tpu.memory_space<vmem_shared>> -> memref<10008x64xf32, #tpu.memory_space<vmem_shared>>
      tpu.wait_indirect_dma semaphore(%arg12 : memref<!tpu.dma_semaphore, #tpu.memory_space<semaphore_mem>>) src(%dma_wait3A_111 : memref<128x64xf32, #tpu.memory_space<vmem>>) dst(%dma_wait3A_117 : memref<10008x64xf32, #tpu.memory_space<vmem_shared>>)
      %barrier3A_118 = arith.constant 0 : index
      tpu.barrier barrier_id(%barrier3A_118)
      "tpu.region"() ({
        %run_scoped3A = tpu.sem_alloc : memref<!tpu.dma_semaphore, #tpu.memory_space<semaphore_mem>>
        %dma_start3A_125 = arith.constant 0 : i32
        %dma_start3A_126 = arith.constant 0 : i32
        %dma_start3A_127 = tpu.memref_slice %arg5[%add3A, %dma_start3A_125, %dma_start3A_126] : memref<4x10000x64xf32, #tpu.memory_space<hbm>> -> memref<1x10000x64xf32, #tpu.memory_space<hbm>>
        %dma_start3A_128 = tpu.memref_squeeze %dma_start3A_127 : memref<1x10000x64xf32, #tpu.memory_space<hbm>> -> memref<10000x64xf32, #tpu.memory_space<hbm>>
        %dma_start3A_129 = arith.constant 0 : i32
        %dma_start3A_130 = tpu.memref_slice %dma_start3A_128[%mul3A_0, %dma_start3A_129] : memref<10000x64xf32, #tpu.memory_space<hbm>> -> memref<624x64xf32, #tpu.memory_space<hbm>>
        %dma_start3A_131 = arith.constant 0 : i32
        %dma_start3A_132 = tpu.memref_slice %arg7[%mul3A_0, %dma_start3A_131] : memref<10008x64xf32, #tpu.memory_space<vmem_shared>> -> memref<624x64xf32, #tpu.memory_space<vmem_shared>>
        tpu.enqueue_dma source(%dma_start3A_132 : memref<624x64xf32, #tpu.memory_space<vmem_shared>>) target(%dma_start3A_130 : memref<624x64xf32, #tpu.memory_space<hbm>>) target_semaphore(%run_scoped3A : memref<!tpu.dma_semaphore, #tpu.memory_space<semaphore_mem>>)
        %dma_wait3A_133 = arith.constant 0 : i32
        %dma_wait3A_134 = arith.constant 0 : i32
        %dma_wait3A_135 = tpu.memref_slice %arg5[%add3A, %dma_wait3A_133, %dma_wait3A_134] : memref<4x10000x64xf32, #tpu.memory_space<hbm>> -> memref<1x10000x64xf32, #tpu.memory_space<hbm>>
        %dma_wait3A_136 = tpu.memref_squeeze %dma_wait3A_135 : memref<1x10000x64xf32, #tpu.memory_space<hbm>> -> memref<10000x64xf32, #tpu.memory_space<hbm>>
        %dma_wait3A_137 = arith.constant 0 : i32
        %dma_wait3A_138 = tpu.memref_slice %dma_wait3A_136[%mul3A_0, %dma_wait3A_137] : memref<10000x64xf32, #tpu.memory_space<hbm>> -> memref<624x64xf32, #tpu.memory_space<hbm>>
        %dma_wait3A_139 = arith.constant 0 : i32
        %dma_wait3A_140 = tpu.memref_slice %arg7[%mul3A_0, %dma_wait3A_139] : memref<10008x64xf32, #tpu.memory_space<vmem_shared>> -> memref<624x64xf32, #tpu.memory_space<vmem_shared>>
        tpu.wait_dma2 semaphore(%run_scoped3A : memref<!tpu.dma_semaphore, #tpu.memory_space<semaphore_mem>>) src(%dma_wait3A_140 : memref<624x64xf32, #tpu.memory_space<vmem_shared>>) dst(%dma_wait3A_138 : memref<624x64xf32, #tpu.memory_space<hbm>>)
        tpu.yield
      }) : () -> ()
      %eq3A_119 = arith.constant 15 : i32
      %eq3A_120 = arith.cmpi eq, %arg1, %eq3A_119 : i32
      %convert_element_type3A_121 = arith.extui %eq3A_120 : i1 to i32
      %cond3A_122 = arith.constant 0 : i32
      %cond3A_123 = arith.cmpi ne, %convert_element_type3A_121, %cond3A_122 : i32
      scf.if %cond3A_123 {
        "tpu.region"() ({
          %run_scoped3A = tpu.sem_alloc : memref<!tpu.dma_semaphore, #tpu.memory_space<semaphore_mem>>
          %dma_start3A_125 = arith.constant 0 : i32
          %dma_start3A_126 = arith.constant 0 : i32
          %dma_start3A_127 = tpu.memref_slice %arg5[%add3A, %dma_start3A_125, %dma_start3A_126] : memref<4x10000x64xf32, #tpu.memory_space<hbm>> -> memref<1x10000x64xf32, #tpu.memory_space<hbm>>
          %dma_start3A_128 = tpu.memref_squeeze %dma_start3A_127 : memref<1x10000x64xf32, #tpu.memory_space<hbm>> -> memref<10000x64xf32, #tpu.memory_space<hbm>>
          %dma_start3A_129 = arith.constant 9984 : i32
          %dma_start3A_130 = arith.constant 0 : i32
          %dma_start3A_131 = tpu.memref_slice %dma_start3A_128[%dma_start3A_129, %dma_start3A_130] : memref<10000x64xf32, #tpu.memory_space<hbm>> -> memref<16x64xf32, #tpu.memory_space<hbm>>
          %dma_start3A_132 = arith.constant 9984 : i32
          %dma_start3A_133 = arith.constant 0 : i32
          %dma_start3A_134 = tpu.memref_slice %arg7[%dma_start3A_132, %dma_start3A_133] : memref<10008x64xf32, #tpu.memory_space<vmem_shared>> -> memref<16x64xf32, #tpu.memory_space<vmem_shared>>
          tpu.enqueue_dma source(%dma_start3A_134 : memref<16x64xf32, #tpu.memory_space<vmem_shared>>) target(%dma_start3A_131 : memref<16x64xf32, #tpu.memory_space<hbm>>) target_semaphore(%run_scoped3A : memref<!tpu.dma_semaphore, #tpu.memory_space<semaphore_mem>>)
          %dma_wait3A_135 = arith.constant 0 : i32
          %dma_wait3A_136 = arith.constant 0 : i32
          %dma_wait3A_137 = tpu.memref_slice %arg5[%add3A, %dma_wait3A_135, %dma_wait3A_136] : memref<4x10000x64xf32, #tpu.memory_space<hbm>> -> memref<1x10000x64xf32, #tpu.memory_space<hbm>>
          %dma_wait3A_138 = tpu.memref_squeeze %dma_wait3A_137 : memref<1x10000x64xf32, #tpu.memory_space<hbm>> -> memref<10000x64xf32, #tpu.memory_space<hbm>>
          %dma_wait3A_139 = arith.constant 9984 : i32
          %dma_wait3A_140 = arith.constant 0 : i32
          %dma_wait3A_141 = tpu.memref_slice %dma_wait3A_138[%dma_wait3A_139, %dma_wait3A_140] : memref<10000x64xf32, #tpu.memory_space<hbm>> -> memref<16x64xf32, #tpu.memory_space<hbm>>
          %dma_wait3A_142 = arith.constant 9984 : i32
          %dma_wait3A_143 = arith.constant 0 : i32
          %dma_wait3A_144 = tpu.memref_slice %arg7[%dma_wait3A_142, %dma_wait3A_143] : memref<10008x64xf32, #tpu.memory_space<vmem_shared>> -> memref<16x64xf32, #tpu.memory_space<vmem_shared>>
          tpu.wait_dma2 semaphore(%run_scoped3A : memref<!tpu.dma_semaphore, #tpu.memory_space<semaphore_mem>>) src(%dma_wait3A_144 : memref<16x64xf32, #tpu.memory_space<vmem_shared>>) dst(%dma_wait3A_141 : memref<16x64xf32, #tpu.memory_space<hbm>>)
          tpu.yield
        }) : () -> ()
      } else {
      }
      %barrier3A_124 = arith.constant 0 : index
      tpu.barrier barrier_id(%barrier3A_124)
    }
    %scan3A_5 = arith.constant 2 : i32
    return
  }
}

module attributes {stable_mosaic.version = 14 : i64} {
  func.func @_mlp_body(%arg0: i32, %arg1: i32, %arg2: memref<1x2000x64xf32, #tpu.memory_space<vmem>>, %arg3: memref<1x2000x64xf32, #tpu.memory_space<vmem>>, %arg4: memref<2000x128xf32, #tpu.memory_space<vmem>>, %arg5: memref<8x128xf32, #tpu.memory_space<vmem>>, %arg6: memref<1x128x128xf32, #tpu.memory_space<vmem>>, %arg7: memref<1x1x128xf32, #tpu.memory_space<vmem>>, %arg8: memref<1x128x128xf32, #tpu.memory_space<vmem>>, %arg9: memref<1x1x128xf32, #tpu.memory_space<vmem>>, %arg10: memref<2000x128xf32, #tpu.memory_space<vmem>>) attributes {dimension_semantics = [#tpu.dimension_semantics<arbitrary>, #tpu.dimension_semantics<arbitrary>], iteration_bounds = array<i64: 2, 5>, scalar_prefetch = 0 : i64, scratch_operands = 0 : i64, tpu.core_type = #tpu.core_type<tc>, window_params = [{transform_indices = @transform_0, window_bounds = array<i64: 1, 2000, 64>}, {transform_indices = @transform_1, window_bounds = array<i64: 1, 2000, 64>}, {transform_indices = @transform_2, window_bounds = array<i64: 2000, 128>}, {pipeline_mode = #tpu.pipeline_mode<synchronous>, transform_indices = @transform_3, window_bounds = array<i64: 8, 128>}, {transform_indices = @transform_4, window_bounds = array<i64: 1, 128, 128>}, {transform_indices = @transform_5, window_bounds = array<i64: 1, 1, 128>}, {transform_indices = @transform_6, window_bounds = array<i64: 1, 128, 128>}, {transform_indices = @transform_7, window_bounds = array<i64: 1, 1, 128>}, {transform_indices = @transform_8, window_bounds = array<i64: 2000, 128>}]} {
    %get3A = arith.constant 0 : index
    %get3A_0 = arith.constant 0 : index
    %get3A_1 = arith.constant 0 : index
    %get3A_2 = vector.load %arg2[%get3A, %get3A_0, %get3A_1] : memref<1x2000x64xf32, #tpu.memory_space<vmem>>, vector<1x2000x64xf32>
    %get3A_3 = vector.shape_cast %get3A_2 : vector<1x2000x64xf32> to vector<2000x64xf32>
    %get3A_4 = arith.constant 0 : index
    %get3A_5 = arith.constant 0 : index
    %get3A_6 = arith.constant 0 : index
    %get3A_7 = vector.load %arg3[%get3A_4, %get3A_5, %get3A_6] : memref<1x2000x64xf32, #tpu.memory_space<vmem>>, vector<1x2000x64xf32>
    %get3A_8 = vector.shape_cast %get3A_7 : vector<1x2000x64xf32> to vector<2000x64xf32>
    %concatenate3A = tpu.concatenate %get3A_3, %get3A_8 in 1 : vector<2000x64xf32>, vector<2000x64xf32> -> vector<2000x128xf32>
    %get3A_9 = arith.constant 0 : index
    %get3A_10 = arith.constant 0 : index
    %get3A_11 = vector.load %arg5[%get3A_9, %get3A_10] : memref<8x128xf32, #tpu.memory_space<vmem>>, vector<1x1xf32>
    %get3A_12 = vector.extract %get3A_11[0, 0] : f32 from vector<1x1xf32>
    %get3A_13 = arith.constant 0 : index
    %get3A_14 = arith.constant 0 : index
    %get3A_15 = vector.load %arg4[%get3A_13, %get3A_14] : memref<2000x128xf32, #tpu.memory_space<vmem>>, vector<2000x128xf32>
    %mul3A = vector.broadcast %get3A_12 : f32 to vector<2000x128xf32>
    %mul3A_16 = arith.mulf %mul3A, %get3A_15 : vector<2000x128xf32>
    %add3A = arith.addf %concatenate3A, %mul3A_16 : vector<2000x128xf32>
    %get3A_17 = arith.constant 0 : index
    %get3A_18 = arith.constant 0 : index
    %get3A_19 = arith.constant 0 : index
    %get3A_20 = vector.load %arg6[%get3A_17, %get3A_18, %get3A_19] : memref<1x128x128xf32, #tpu.memory_space<vmem>>, vector<1x128x128xf32>
    %get3A_21 = vector.shape_cast %get3A_20 : vector<1x128x128xf32> to vector<128x128xf32>
    %dot_general3A = arith.constant dense<0.000000e+00> : vector<2000x128xf32>
    %dot_general3A_22 = tpu.matmul %add3A, %get3A_21, %dot_general3A {dimension_numbers = #tpu.dot_dimension_numbers<[1], [0], [0], [1], [0, 0, 1, 1], [], []>, transpose_lhs_hint = false} : vector<2000x128xf32>, vector<128x128xf32>, vector<2000x128xf32> -> vector<2000x128xf32>
    %get3A_23 = arith.constant 0 : index
    %get3A_24 = arith.constant 0 : index
    %get3A_25 = arith.constant 0 : index
    %get3A_26 = vector.load %arg7[%get3A_23, %get3A_24, %get3A_25] : memref<1x1x128xf32, #tpu.memory_space<vmem>>, vector<1x1x128xf32>
    %get3A_27 = vector.shape_cast %get3A_26 : vector<1x1x128xf32> to vector<128xf32>
    %broadcast_in_dim3A = vector.shape_cast %get3A_27 : vector<128xf32> to vector<1x128xf32>
    %add3A_28 = vector.broadcast %broadcast_in_dim3A : vector<1x128xf32> to vector<2000x128xf32>
    %add3A_29 = arith.addf %dot_general3A_22, %add3A_28 : vector<2000x128xf32>
    %max3A = arith.constant 0.000000e+00 : f32
    %max3A_30 = vector.broadcast %max3A : f32 to vector<2000x128xf32>
    %max3A_31 = arith.maximumf %add3A_29, %max3A_30 : vector<2000x128xf32>
    %get3A_32 = arith.constant 0 : index
    %get3A_33 = arith.constant 0 : index
    %get3A_34 = arith.constant 0 : index
    %get3A_35 = vector.load %arg8[%get3A_32, %get3A_33, %get3A_34] : memref<1x128x128xf32, #tpu.memory_space<vmem>>, vector<1x128x128xf32>
    %get3A_36 = vector.shape_cast %get3A_35 : vector<1x128x128xf32> to vector<128x128xf32>
    %dot_general3A_37 = arith.constant dense<0.000000e+00> : vector<2000x128xf32>
    %dot_general3A_38 = tpu.matmul %max3A_31, %get3A_36, %dot_general3A_37 {dimension_numbers = #tpu.dot_dimension_numbers<[1], [0], [0], [1], [0, 0, 1, 1], [], []>, transpose_lhs_hint = false} : vector<2000x128xf32>, vector<128x128xf32>, vector<2000x128xf32> -> vector<2000x128xf32>
    %get3A_39 = arith.constant 0 : index
    %get3A_40 = arith.constant 0 : index
    %get3A_41 = arith.constant 0 : index
    %get3A_42 = vector.load %arg9[%get3A_39, %get3A_40, %get3A_41] : memref<1x1x128xf32, #tpu.memory_space<vmem>>, vector<1x1x128xf32>
    %get3A_43 = vector.shape_cast %get3A_42 : vector<1x1x128xf32> to vector<128xf32>
    %broadcast_in_dim3A_44 = vector.shape_cast %get3A_43 : vector<128xf32> to vector<1x128xf32>
    %add3A_45 = vector.broadcast %broadcast_in_dim3A_44 : vector<1x128xf32> to vector<2000x128xf32>
    %add3A_46 = arith.addf %dot_general3A_38, %add3A_45 : vector<2000x128xf32>
    %swap3A = arith.constant 0 : index
    %swap3A_47 = arith.constant 0 : index
    %swap3A_48 = vector.load %arg10[%swap3A, %swap3A_47] : memref<2000x128xf32, #tpu.memory_space<vmem>>, vector<2000x128xf32>
    tpu.vector_store %arg10[%swap3A, %swap3A_47], %add3A_46 {strides = array<i32>} : memref<2000x128xf32, #tpu.memory_space<vmem>>, vector<2000x128xf32>,
    return
  }
  func.func @transform_0(%arg0: i32, %arg1: i32) -> (i32, i32, i32) {
    %mul3A = arith.constant 2 : i32
    %mul3A_0 = arith.muli %mul3A, %arg0 : i32
    %c0_i32 = arith.constant 0 : i32
    %c0_i32_1 = arith.constant 0 : i32
    return %mul3A_0, %arg1, %c0_i32 : i32, i32, i32
  }
  func.func @transform_1(%arg0: i32, %arg1: i32) -> (i32, i32, i32) {
    %mul3A = arith.constant 2 : i32
    %mul3A_0 = arith.muli %mul3A, %arg0 : i32
    %add3A = arith.constant 1 : i32
    %add3A_1 = arith.addi %mul3A_0, %add3A : i32
    %c0_i32 = arith.constant 0 : i32
    %c0_i32_2 = arith.constant 0 : i32
    return %add3A_1, %arg1, %c0_i32 : i32, i32, i32
  }
  func.func @transform_2(%arg0: i32, %arg1: i32) -> (i32, i32) {
    %mul3A = arith.constant 5 : i32
    %mul3A_0 = arith.muli %arg0, %mul3A : i32
    %add3A = arith.addi %mul3A_0, %arg1 : i32
    %c0_i32 = arith.constant 0 : i32
    %c0_i32_1 = arith.constant 0 : i32
    return %add3A, %c0_i32 : i32, i32
  }
  func.func @transform_3(%arg0: i32, %arg1: i32) -> (i32, i32) {
    %c0_i32 = arith.constant 0 : i32
    %c0_i32_0 = arith.constant 0 : i32
    %c0_i32_1 = arith.constant 0 : i32
    return %c0_i32, %c0_i32_0 : i32, i32
  }
  func.func @transform_4(%arg0: i32, %arg1: i32) -> (i32, i32, i32) {
    %c0_i32 = arith.constant 0 : i32
    %c0_i32_0 = arith.constant 0 : i32
    %c0_i32_1 = arith.constant 0 : i32
    return %arg0, %c0_i32, %c0_i32_0 : i32, i32, i32
  }
  func.func @transform_5(%arg0: i32, %arg1: i32) -> (i32, i32, i32) {
    %c0_i32 = arith.constant 0 : i32
    %c0_i32_0 = arith.constant 0 : i32
    %c0_i32_1 = arith.constant 0 : i32
    return %arg0, %c0_i32, %c0_i32_0 : i32, i32, i32
  }
  func.func @transform_6(%arg0: i32, %arg1: i32) -> (i32, i32, i32) {
    %c0_i32 = arith.constant 0 : i32
    %c0_i32_0 = arith.constant 0 : i32
    %c0_i32_1 = arith.constant 0 : i32
    return %arg0, %c0_i32, %c0_i32_0 : i32, i32, i32
  }
  func.func @transform_7(%arg0: i32, %arg1: i32) -> (i32, i32, i32) {
    %c0_i32 = arith.constant 0 : i32
    %c0_i32_0 = arith.constant 0 : i32
    %c0_i32_1 = arith.constant 0 : i32
    return %arg0, %c0_i32, %c0_i32_0 : i32, i32, i32
  }
  func.func @transform_8(%arg0: i32, %arg1: i32) -> (i32, i32) {
    %mul3A = arith.constant 5 : i32
    %mul3A_0 = arith.muli %arg0, %mul3A : i32
    %add3A = arith.addi %mul3A_0, %arg1 : i32
    %c0_i32 = arith.constant 0 : i32
    %c0_i32_1 = arith.constant 0 : i32
    return %add3A, %c0_i32 : i32, i32
  }
}

</mosaic_0001>

<sc_bundles>
// kernel: kernel.4.cloned.1.call-start
scs
__scs_entry_jumppad:
0x0: {  	(pc) =	sbr.rel $0x88, $3  }
0x1: {  	(tag) =	ssettag $0x0;
	lr =	simm.s32 $0x1  }
0x2: {  	[smem:$0x3F95] =	sst lr;
	_ =	strace $0xD0000000  }
0x3: {  	_ = 	snop  }
0x4: {  	_ = 	snop  }
0x5: {  	_ = 	snop  }
0x6: {  	_ = 	snop  }
0x7: {  	_ = 	snop  }
__scs_overlays_trampoline_lowered:
0x8: {  	[smem:$0x3FA4] =	sst s0  }
0x9: {  	[smem:$0x3FA5] =	sst s1  }
0xa: {  	[smem:$0x3FA6] =	sst s2  }
0xb: {  	[smem:$0x3FA7] =	sst s3  }
0xc: {  	[smem:$0x3FA8] =	sst s4  }
0xd: {  	[smem:$0x3FA9] =	sst s5  }
0xe: {  	[smem:$0x3FAA] =	sst s6  }
0xf: {  	[smem:$0x3FAB] =	sst s7  }
0x10: {  	[smem:$0x3FAC] =	sst s8  }
0x11: {  	[smem:$0x3FAD] =	sst s9;
	s0 =	simm.s32 @!p0 $0x0  }
0x12: {  	s1 =	sld [smem:$0x3F93];
	s0 =	simm.s32 @p0 $0x1  }
0x13: {  	[smem:$0x3FAE] =	sst s0;
	s0 =	simm.s32 @!p1 $0x0  }
0x14: {  	s2 =	sld [smem:$0x3F92];
	s0 =	simm.s32 @p1 $0x1  }
0x15: {  	[smem:$0x3FAF] =	sst s0;
	s0 =	simm.s32 @!p2 $0x0  }
0x16: {  	s3 =	sld [smem:$0x3FDB];
	s0 =	simm.s32 @p2 $0x1  }
0x17: {  	s4 =	simm.s32 $0x1BF5;
	[smem:$0x3FB1] =	sst s0  }
0x18: {  	s0 =	sld [smem:$0x3F94];
	_ =	swait.ge [sflag:s4], $0x0  }
0x19: {  	s7 =	sld [smem:$0x3F95]  }
0x1a: {  	s8 =	sadd.s32 $0xFFFFE003, lr  }
0x1b: {  	s9 =	sadd.s32 $0xFFFFFEF7, lr;
	s5 =	simm.s32 $0xFFFFFFFF;
	p2 =	slt.u32 s8, $0xFFFFF086  }
0x1c: {  	p1 =	slt.u32 s9, $0xF7A;
	s5 =	simm.s32 @!p2 $0x0  }
0x1d: {  	s5 =	simm.s32 @p1 $0x1;
	p0 =	seq.s32 s7, s2  }
0x1e: {  	s7 =	smul.u32 @!p0 $0xF7A, s2;
	p2 =	seq.s32 @!p0 s5, $0x0  }
0x1f: {  	s9 =	smul.u32 $0xF7A, s1;
	s8 =	simm.s32 @!p0 $0x1BF5;
	p2 =	por !p2, p0  }
0x20: {  	[sflag:s8] =	ssyncset.s32 @!p0 $0xFFFFF086;
	s6 =	sadd.s32 @!p0 s3, s7;
	s7 =	simm.s32 @!p0 $0x108  }
0x21: {  	s3 =	sadd.s32 s3, s9;
	s6 =	sadd.s32 @!p0 $0x88, s6;
	s7 =	simm.s32 @p2 $0x1082  }
0x22: {  	[simem:s7], [sflag:s8] =	dma.local @!p0 [hbm:s6], $0xF7A  }
0x23: {  	s9 =	sor.u32 $0xD0000000, s2;
	s6 =	simm.s32 $0x108;
	_ =	swait.ge @!p0 [sflag:s8], $0x0  }
0x24: {  	s3 =	sadd.s32 $0x88, s3;
	s6 =	simm.s32 @!p1 $0x1082;
	[sflag:s4] =	ssyncset.s32 $0xFFFFF086  }
0x25: {  	[simem:s6], [sflag:s4] =	dma.local [hbm:s3], $0xF7A  }
0x26: {  	[smem:$0x3F95] =	sst s1;
	(tag) =	ssettag s2;
	_ =	strace s9  }
0x27: {  	s1 =	sld [smem:$0x3FA5]  }
0x28: {  	s2 =	sld [smem:$0x3FA6]  }
0x29: {  	s4 =	sld [smem:$0x3FA8]  }
0x2a: {  	p0 =	seq.s32 s5, $0x0;
	s5 =	sld [smem:$0x3FA9]  }
0x2b: {  	s6 =	sld [smem:$0x3FAA]  }
0x2c: {  	s7 =	sld [smem:$0x3FAB]  }
0x2d: {  	s3 =	simm.s32 $0x108;
	s8 =	sld [smem:$0x3FAC]  }
0x2e: {  	s3 =	simm.s32 @!p0 $0x1082;
	s9 =	sld [smem:$0x3FAD]  }
0x2f: {  	lr =	sadd.s32 s0, s3;
	s0 =	sld [smem:$0x3FA4]  }
0x30: {  	s3 =	sld [smem:$0x3FA7]  }
0x31: {  	[smem:$0x3FB0] =	sst s10  }
0x32: {  	s10 =	sld [smem:$0x3FAE];
	_ =	sdelay $0x3  }
0x33: {  	p0 =	seq.s32 s10, $0x1;
	s10 =	sld [smem:$0x3FB0];
	_ =	sdelay $0x3  }
0x34: {  	[smem:$0x3FB0] =	sst s10  }
0x35: {  	s10 =	sld [smem:$0x3FAF];
	_ =	sdelay $0x3  }
0x36: {  	p1 =	seq.s32 s10, $0x1;
	s10 =	sld [smem:$0x3FB0];
	_ =	sdelay $0x3  }
0x37: {  	[smem:$0x3FB0] =	sst s10  }
0x38: {  	s10 =	sld [smem:$0x3FB1]  }
0x39: {  	_ = 	snop;
	(pc) =	sbr.ind lr, $3  }
0x3a: {  	_ = 	snop  }
0x3b: {  	_ = 	snop  }
0x3c: {  	p2 =	seq.s32 s10, $0x1;
	s10 =	sld [smem:$0x3FB0]  }
0x3d: {  	_ =	shalt  }
0x3e: {  	_ =	shalt  }
0x3f: {  	_ =	shalt  }
0x40: {  	_ =	shalt  }
0x41: {  	_ =	shalt  }
0x42: {  	_ =	shalt  }
0x43: {  	_ =	shalt  }
0x44: {  	_ =	shalt  }
0x45: {  	_ =	shalt  }
0x46: {  	_ =	shalt  }
0x47: {  	_ =	shalt  }
0x48: {  	_ =	shalt  }
0x49: {  	_ =	shalt  }
0x4a: {  	_ =	shalt  }
0x4b: {  	_ =	shalt  }
0x4c: {  	_ =	shalt  }
0x4d: {  	_ =	shalt  }
0x4e: {  	_ =	shalt  }
0x4f: {  	_ =	shalt  }
0x50: {  	_ =	shalt  }
0x51: {  	_ =	shalt  }
0x52: {  	_ =	shalt  }
0x53: {  	_ =	shalt  }
0x54: {  	_ =	shalt  }
0x55: {  	_ =	shalt  }
0x56: {  	_ =	shalt  }
0x57: {  	_ =	shalt  }
0x58: {  	_ =	shalt  }
0x59: {  	_ =	shalt  }
0x5a: {  	_ =	shalt  }
0x5b: {  	_ =	shalt  }
0x5c: {  	_ =	shalt  }
0x5d: {  	_ =	shalt  }
0x5e: {  	_ =	shalt  }
0x5f: {  	_ =	shalt  }
0x60: {  	_ =	shalt  }
0x61: {  	_ =	shalt  }
0x62: {  	_ =	shalt  }
0x63: {  	_ =	shalt  }
0x64: {  	_ =	shalt  }
0x65: {  	_ =	shalt  }
0x66: {  	_ =	shalt  }
0x67: {  	_ =	shalt  }
0x68: {  	_ =	shalt  }
0x69: {  	_ =	shalt  }
0x6a: {  	_ =	shalt  }
0x6b: {  	_ =	shalt  }
0x6c: {  	_ =	shalt  }
0x6d: {  	_ =	shalt  }
0x6e: {  	_ =	shalt  }
0x6f: {  	_ =	shalt  }
0x70: {  	_ =	shalt  }
0x71: {  	_ =	shalt  }
0x72: {  	_ =	shalt  }
0x73: {  	_ =	shalt  }
0x74: {  	_ =	shalt  }
0x75: {  	_ =	shalt  }
0x76: {  	_ =	shalt  }
0x77: {  	_ =	shalt  }
0x78: {  	_ =	shalt  }
0x79: {  	_ =	shalt  }
0x7a: {  	_ =	shalt  }
0x7b: {  	_ =	shalt  }
0x7c: {  	_ =	shalt  }
0x7d: {  	_ =	shalt  }
0x7e: {  	_ =	shalt  }
0x7f: {  	_ =	shalt  }
0x80: {  	_ =	shalt  }
0x81: {  	_ =	shalt  }
0x82: {  	_ =	shalt  }
0x83: {  	_ =	shalt  }
0x84: {  	_ =	shalt  }
0x85: {  	_ =	shalt  }
0x86: {  	_ =	shalt  }
0x87: {  	_ =	shalt  }
.Lfunc_end0:
.L_simem_size_0:
called_computation_lowered:
.L_overlay_start_0:
0x88: {  	s2 =	sld [smem:$0x3FD9]  }
0x89: {  	s3 =	sld [smem:$0x3FFE];
	_ =	sdelay $0x1  }
0x8a: {  	s1 =	srdreg.scid  }
0x8b: {  	s0 =	sand.u32 $0x1, s1  }
0x8c: {  	s14 =	sshll.u32 s0, $0xA;
	s2 =	sadd.s32 s3, s2  }
0x8d: {  	s2 =	sadd.s32 s2, s14  }
0x8e: {  	[smem:$0x3FBC] =	sst s2  }
0x8f: {  	_ = 	snop  }
0x90: {  	s2 =	sld [smem:$0x3FD0];
	_ =	sdelay $0x2  }
0x91: {  	s15 =	simm.s32 $0xA;
	s4 =	simm.s32 $0x10  }
0x92: {  	[smem:s4], [sflag:s15] =	dma.local [hbm:s2], $0x1  }
0x93: {  	_ =	swait.eq [sflag:s15], $0x1  }
0x94: {  	[sflag:s15] =	ssyncset.done $0x0  }
0x95: {  	s16 =	sld [smem:$0x10];
	[sflag:s15] =	ssyncadd.s32 $0xFFFFFFFF  }
0x96: {  	s17 =	sld [smem:$0x11];
	(tm) =	ssettm $0x1  }
0x97: {  	s18 =	sld [smem:$0x3FFB];
	_ =	sdelay $0x3  }
0x98: {  	_ =	strace s18  }
0x99: {  	s4 =	sld [smem:$0x3FFC];
	_ =	sdelay $0x3  }
0x9a: {  	_ =	strace s4  }
0x9b: {  	s4 =	sld [smem:$0x3FFD];
	_ =	sdelay $0x3  }
0x9c: {  	_ =	strace s4  }
0x9d: {  	_ =	strace $0x8FFFFFFF  }
0x9e: {  	s19 =	sld [smem:$0x3FDB];
	_ =	sdelay $0x1  }
0x9f: {  	s5 =	simm.s32 $_scs_section_size  }
0xa0: {  	s6 =	simm.s32 $_size__tile_overlayer_lowered;
	s7 =	simm.s32 $_tile_overlayer_lowered  }
0xa1: {  	s22 =	simm.s32 $0x1BFF;
	s21 =	sshll.u32 s7, $0x1;
	s4 =	sadd.s32 s5, s19  }
0xa2: {  	s8 =	simm.s32 $0x0;
	s20 =	sshll.u32 s6, $0x1;
	s6 =	sadd.s32 s21, s4  }
0xa3: {  	[timem:s8], [sflag:s22] =	dma.local [hbm:s6], s20  }
0xa4: {  	_ =	swait.ge [sflag:s22], s20  }
0xa5: {  	s5 =	ssub.s32 $0x0, s20;
	[sflag:s22] =	ssyncset.done $0x0  }
0xa6: {  	[sflag:s22] =	ssyncadd.s32 s5;
	_ =	sdelay $0x1  }
0xa7: {  	s23 =	simm.s32 $0x1B8B  }
0xa8: {  	_ =	swait.ge [sflag:s23], $0x1  }
0xa9: {  	[sflag:s23] =	ssyncset.done $0x0  }
0xaa: {  	s25 =	simm.s32 $0x1B8E;
	s24 =	sld [smem:$0x3FFE];
	[sflag:s23] =	ssyncadd.s32 $0xFFFFFFFF  }
0xab: {  	s26 =	simm.s32 $execute0_lowered;
	[smem:$0x3FD2] =	sst s25  }
0xac: {  	s6 =	sshll.u32 s26, $0x1;
	_ =	strace $0x80000046;
	[dreg:$0x1] =	wrdreg $0xFFFFFFFF  }
0xad: {  	s28 =	simm.s32 $_size_execute0_lowered;
	s4 =	sadd.s32 s4, s6;
	[dreg:$0x0] =	wrdreg $0x0  }
0xae: {  	s6 =	sshll.u32 s28, $0x1;
	[dreg:$0x2] =	wrdreg s4  }
0xaf: {  	[dreg:$0x3] =	wrdreg s6  }
0xb0: {  	[dreg:$0x4] =	wrdreg $0xC0  }
0xb1: {  	_ =	task [dreg:s8], $0x5FFFF  }
0xb2: {  	[dreg:$0x1] =	wrdreg $0xFFFFFFFF  }
0xb3: {  	[dreg:$0x0] =	wrdreg $0x60  }
0xb4: {  	[dreg:$0x2] =	wrdreg s24  }
0xb5: {  	[dreg:$0x3] =	wrdreg s16  }
0xb6: {  	[dreg:$0x4] =	wrdreg s17  }
0xb7: {  	[dreg:$0x5] =	wrdreg $0x0  }
0xb8: {  	[dreg:$0x6] =	wrdreg $0x9C400  }
0xb9: {  	[dreg:$0x7] =	wrdreg $0x9  }
0xba: {  	_ =	task.clear_ibuf [dreg:s8], $0x8FFFF;
	_ =	strace $0x90000046  }
0xbb: {  	s29 =	simm.s32 $0x9;
	_ =	strace $0x80000048  }
0xbc: {  	_ =	swait.ge [sflag:s29], $0x1  }
0xbd: {  	[sflag:s29] =	ssyncadd.s32 $0xFFFFFFFF  }
0xbe: {  	_ =	strace $0x90000048  }
0xbf: {  	_ =	sfence  }
0xc0: {  	s30 =	sld [smem:$0x0];
	_ =	sdelay $0x2  }
0xc1: {  	s31 =	sshll.u32 s1, $0xD;
	s1 =	sshrl.u32 s1, $0x2  }
0xc2: {  	s3 =	sand.u32 $0x4000, s31;
	s1 =	sadd.s32 s1, s30  }
0xc3: {  	s0 =	sor.u32 s3, s0;
	s1 =	sshll.u32 s1, $0x11  }
0xc4: {  	s0 =	sor.u32 s1, s0  }
0xc5: {  	s0 =	sadd.s32 $0x8F2B, s0  }
0xc6: {  	[sflag:s0] =	ssyncadd.remote.s32 $0x1  }
0xc7: {  	_ =	sfence.sel $0xFFFF  }
0xc8: {  	[dreg:$0x0] =	wrdreg $0xFFFFFFFF;
	(pc) =	sbr.abs _section_cstart, $3  }
0xc9: {  	[dreg:$0x1] =	wrdreg $0xFFFFFFFF  }
0xca: {  	_ =	task.clear_ibuf [dreg:s8], $0x2FFFF;
	_ =	strace $0x9FFFFFFF  }
0xcb: {  	(tm) =	ssettm $0x7FFFFFFF  }
tec
execute0_lowered:
.L_overlay_start_1:
0x0: {  	(tag) =	ssettag $0x1  }
0x1: {  	s0 =	rddreg [dreg:$0x0]  }
0x2: {  	s3 =	rddreg [dreg:$0x1]  }
0x3: {  	s4 =	rddreg [dreg:$0x2]  }
0x4: {  	s1 =	rddreg [dreg:$0x3]  }
0x5: {  	s2 =	rddreg [dreg:$0x4];
	s5 =	srdreg.scid  }
0x6: {  	s6 =	simm.s32 $0x0;
	s23 =	stileid.u32;
	s15 =	simm.s32 $0x4  }
0x7: {  	s22 =	simm.s32 $0x3;
	s28 =	simm.s32 $0x2;
	s7 =	sand.u32 $0x1, s5  }
0x8: {  	[smem:$0x7FF] =	sst s6;
	s10 =	smul.u32 $0x13800, s23;
	s11 =	sadd.s32 $0x2200, s0  }
0x9: {  	s0 =	sadd.s32 $0x9E600, s0;
	s25 =	smul.u32 $0xA00, s23;
	s17 =	sadd.s32 $0x138000, s1  }
0xa: {  	s19 =	sadd.s32 $0x138000, s2;
	p0 =	sne.s32 s23, $0xF;
	s29 =	sshll.u32 s23, $0x6  }
0xb: {  	s8 =	ssub.s32 $0x2, s7;
	_ =	strace $0x80000047;
	[dreg:$0x9] =	wrdreg s11  }
0xc: {  	[dreg:$0xa] =	wrdreg s0;
	s7 =	sshll.u32 s7, $0x1;
	s13 =	sor.u32 $0x1C04, s29  }
0xd: {  	s17 =	sshrl.u32 @!p0 s17, $0x3;
	s19 =	sshrl.u32 @!p0 s19, $0x3;
	s9 =	sshrl.u32 s8, $0x1  }
0xe: {  	s12 =	sadd.s32 s10, s1;
	[dreg:$0xb] =	wrdreg s7;
	s7 =	sadd.s32 s10, s2  }
0xf: {  	s10 =	sadd.s32 s3, s25;
	s26 =	sadd.s32 s4, s25;
	s25 =	simm.s32 $0x1  }
0x10: {  	s24 =	ssub.s32 s8, s9;
	s8 =	smul.u32 $0x2700, s23;
	s30 =	sshrl.u32 s12, $0x3  }
0x11: {  	s16 =	sshrl.u32 @p0 s7, $0x3;
	s11 =	smov.u32 s7;
	s18 =	sshrl.u32 @!p0 s7, $0x3  }
0x12: {  	s14 =	smov.u32 s26;
	s31 =	sadd.s32 $0x100, s26;
	[dreg:$0xd] =	wrdreg s30  }
0x13: {  	s23 =	simm.s32 $0x80;
	s0 =	smax.u32 s24, $0x1;
	[dreg:$0x7] =	wrdreg s31  }
0x14: {  	s26 =	simm.s32 $0x158A0;
	s24 =	simm.s32 $0x198A0;
	[dreg:$0xc] =	wrdreg s0  }
.LBB2_1:
0x15: {  	[dreg:$0x8] =	wrdreg s6;
	p2 =	por $0x1, $0x1;
	s0 =	simm.s32 $0x0  }
.LBB2_2:
0x16: {  	s3 =	rddreg [dreg:$0xb]  }
0x17: {  	s0 =	sor.u32 s3, s0  }
0x18: {  	s30 =	smul.u32 $0x27100, s0  }
0x19: {  	s4 =	rddreg [dreg:$0x9]  }
0x1a: {  	s0 =	sadd.s32 s4, s30  }
0x1b: {  	s4 =	rddreg [dreg:$0xd];
	s3 =	sadd.s32 s8, s0  }
0x1c: {  	[spmem:s4], [sflag:s13] =	dma.local [hbm:s3], $0x2700  }
0x1d: {  	_ =	swait.ge [sflag:s15], $0x2700  }
0x1e: {  	[sflag:s15] =	ssyncset.done $0x0  }
0x1f: {  	s4 =	simm.s32 @p0 $0x4;
	[sflag:s15] =	ssyncadd.s32 $0xFFFFD900  }
0x20: {  	[spmem:s16], [sflag:s13] =	dma.local @p0 [hbm:s3], $0x2700  }
0x21: {  	_ =	swait.ge @p0 [sflag:s4], $0x2700  }
0x22: {  	[sflag:s4] =	ssyncset.done @p0 $0x0  }
0x23: {  	s0 =	sadd.s32 @!p0 $0x27000, s0;
	[sflag:s4] =	ssyncadd.s32 @p0 $0xFFFFD900;
	s4 =	simm.s32 @!p0 $0x4  }
0x24: {  	[spmem:s17], [sflag:s13] =	dma.local @!p0 [hbm:s0], $0x100  }
0x25: {  	_ =	swait.ge @!p0 [sflag:s4], $0x100  }
0x26: {  	[sflag:s4] =	ssyncset.done @!p0 $0x0  }
0x27: {  	[sflag:s4] =	ssyncadd.s32 @!p0 $0xFFFFFF00  }
0x28: {  	[spmem:s18], [sflag:s13] =	dma.local @!p0 [hbm:s3], $0x2700  }
0x29: {  	_ =	swait.ge @!p0 [sflag:s4], $0x2700  }
0x2a: {  	[sflag:s4] =	ssyncset.done @!p0 $0x0  }
0x2b: {  	[sflag:s4] =	ssyncadd.s32 @!p0 $0xFFFFD900  }
0x2c: {  	[spmem:s19], [sflag:s13] =	dma.local @!p0 [hbm:s0], $0x100  }
0x2d: {  	_ =	swait.ge @!p0 [sflag:s4], $0x100  }
0x2e: {  	[sflag:s4] =	ssyncset.done @!p0 $0x0  }
0x2f: {  	s5 =	simm.s32 $0x138A0;
	[sflag:s4] =	ssyncadd.s32 @!p0 $0xFFFFFF00  }
0x30: {  	s7 =	sadd.s32 $0x100, s10;
	s0 =	simm.s32 $0x0;
	[bflag:$0x0] =	sbarrier.arrive $0xFFFF  }
0x31: {  	[tilespmem:s5], [sflag:$0x3] =	stream.linear.gather [hbm4b:s10+s0], $0x800, $0x38;
	[tilespmem:$0x1D8A0] =	vst v63  }
0x32: {  	s6 =	simm.s32 $0x148A0;
	[dreg:$0x6] =	wrdreg s7  }
0x33: {  	[tilespmem:s6], [sflag:$0x3] =	stream.linear.gather [hbm4b:s14+s0], $0x800, $0x38;
	[tilespmem:$0x1D8A0] =	vst v63  }
0x34: {  	_ =	swait.ge [sflag:s22], $0x800  }
0x35: {  	[sflag:s22] =	ssyncset.done $0x0  }
0x36: {  	[sflag:s22] =	ssyncadd.s32 $0xFFFFF800  }
0x37: {  	_ =	swait.ge [sflag:s22], $0x800  }
0x38: {  	p1 =	por $0x0, $0x0;
	[sflag:s22] =	ssyncset.done $0x0  }
0x39: {  	s4 =	simm.s32 @p1 $0x2;
	[sflag:s22] =	ssyncadd.s32 $0xFFFFF800  }
0x3a: {  	s12 =	simm.s32 $0x1;
	s20 =	simm.s32 @p1 $0x1;
	_ =	swait.ge @p1 [sflag:s4], $0x2000  }
0x3b: {  	s21 =	simm.s32 @p1 $0x80;
	s3 =	sand.u32 @p1 $0x800, s0;
	[sflag:s4] =	ssyncset.done @p1 $0x0  }
0x3c: {  	s31 =	simm.s32 @p1 $0x158A0;
	s0 =	sadd.s32 @p1 $0x138A0, s3;
	[sflag:s4] =	ssyncadd.s32 @p1 $0xFFFFE000  }
0x3d: {  	[tilespmem:s31], [sflag:$0x1] =	stream.indirect.gather @p1 [spmem:s1], $0x40, s0, s21, $0xb8;
	[tilespmem:$0x1D8A0] =	vst v63  }
0x3e: {  	s12 =	sand.u32 $0x1, s12;
	_ =	swait.ge @p1 [sflag:s20], $0x2000  }
0x3f: {  	s31 =	sshll.u32 @p1 s12, $0xB;
	[sflag:s20] =	ssyncset.done @p1 $0x0  }
0x40: {  	s31 =	sor.u32 @p1 $0x15020, s31;
	[sflag:s20] =	ssyncadd.s32 @p1 $0xFFFFE000;
	s20 =	simm.s32 @p1 $0x198A0  }
0x41: {  	[spmem:s2] =	stream.indirect.scatter.add.f32 @p1 [tilespmem:s20], [sflag:$0x2], $0x40, s31, s21, $0xb8;
	[tilespmem:$0x1D8A0] =	vst v63  }
0x42: {  	_ =	swait.ge @p1 [sflag:s4], $0x2000  }
0x43: {  	s3 =	simm.s32 @!p1 $0x0;
	s20 =	simm.s32 @!p1 $0x158A0;
	[sflag:s4] =	ssyncset.done @p1 $0x0  }
0x44: {  	s21 =	simm.s32 @!p1 $0x138A0;
	[sflag:s4] =	ssyncadd.s32 @p1 $0xFFFFE000;
	s4 =	simm.s32 @!p1 $0x80  }
0x45: {  	[tilespmem:s20], [sflag:$0x1] =	stream.indirect.gather @!p1 [spmem:s1], $0x40, s21, s4, $0xb8;
	[tilespmem:$0x1D8A0] =	vst v63  }
0x46: {  	s9 =	sadd.s32 $0x13920, s3  }
0x47: {  	[tilespmem:s24], [sflag:$0x1] =	stream.indirect.gather [spmem:s1], $0x40, s9, s23, $0xb8;
	[tilespmem:$0x1D8A0] =	vst v63  }
0x48: {  	_ =	swait.ge [sflag:s25], $0x2000  }
0x49: {  	[sflag:s25] =	ssyncset.done $0x0  }
0x4a: {  	s20 =	sadd.s32 $0x148A0, s3;
	[sflag:s25] =	ssyncadd.s32 $0xFFFFE000  }
0x4b: {  	[spmem:s2] =	stream.indirect.scatter.add.f32 [tilespmem:s26], [sflag:$0x2], $0x40, s20, s23, $0xb8;
	[tilespmem:$0x1D8A0] =	vst v63  }
0x4c: {  	_ =	swait.ge [sflag:s28], $0x2000  }
0x4d: {  	[sflag:s28] =	ssyncset.done $0x0  }
0x4e: {  	s21 =	sadd.s32 $0x139A0, s3;
	[sflag:s28] =	ssyncadd.s32 $0xFFFFE000  }
0x4f: {  	[tilespmem:s26], [sflag:$0x1] =	stream.indirect.gather [spmem:s1], $0x40, s21, s23, $0xb8;
	[tilespmem:$0x1D8A0] =	vst v63  }
0x50: {  	_ =	swait.ge [sflag:s25], $0x2000  }
0x51: {  	[sflag:s25] =	ssyncset.done $0x0  }
0x52: {  	s29 =	sadd.s32 $0x14920, s3;
	[sflag:s25] =	ssyncadd.s32 $0xFFFFE000  }
0x53: {  	[spmem:s2] =	stream.indirect.scatter.add.f32 [tilespmem:s24], [sflag:$0x2], $0x40, s29, s23, $0xb8;
	[tilespmem:$0x1D8A0] =	vst v63  }
0x54: {  	_ =	swait.ge [sflag:s28], $0x2000  }
0x55: {  	[sflag:s28] =	ssyncset.done $0x0  }
0x56: {  	s5 =	sadd.s32 $0x13A20, s3;
	[sflag:s28] =	ssyncadd.s32 $0xFFFFE000  }
0x57: {  	[tilespmem:s24], [sflag:$0x1] =	stream.indirect.gather [spmem:s1], $0x40, s5, s23, $0xb8;
	[tilespmem:$0x1D8A0] =	vst v63  }
0x58: {  	_ =	swait.ge [sflag:s25], $0x2000  }
0x59: {  	[sflag:s25] =	ssyncset.done $0x0  }
0x5a: {  	s6 =	sadd.s32 $0x149A0, s3;
	[sflag:s25] =	ssyncadd.s32 $0xFFFFE000  }
0x5b: {  	[spmem:s2] =	stream.indirect.scatter.add.f32 [tilespmem:s26], [sflag:$0x2], $0x40, s6, s23, $0xb8;
	[tilespmem:$0x1D8A0] =	vst v63  }
0x5c: {  	_ =	swait.ge [sflag:s28], $0x2000  }
0x5d: {  	[sflag:s28] =	ssyncset.done $0x0  }
0x5e: {  	s7 =	sadd.s32 $0x13AA0, s3;
	[sflag:s28] =	ssyncadd.s32 $0xFFFFE000  }
0x5f: {  	[tilespmem:s26], [sflag:$0x1] =	stream.indirect.gather [spmem:s1], $0x40, s7, s23, $0xb8;
	[tilespmem:$0x1D8A0] =	vst v63  }
0x60: {  	p3 =	por $0x0, $0x0;
	_ =	swait.ge [sflag:s25], $0x2000  }
0x61: {  	s31 =	simm.s32 @!p3 $0x0;
	s4 =	sshll.u32 @!p3 s12, $0xB;
	[sflag:s25] =	ssyncset.done $0x0  }
0x62: {  	s9 =	sadd.s32 $0x14A20, s3;
	s12 =	rddreg [dreg:$0x6];
	[sflag:s25] =	ssyncadd.s32 $0xFFFFE000  }
0x63: {  	[spmem:s2] =	stream.indirect.scatter.add.f32 [tilespmem:s24], [sflag:$0x2], $0x40, s9, s23, $0xb8;
	[tilespmem:$0x1D8A0] =	vst v63  }
0x64: {  	s20 =	sadd.s32 @!p3 $0x138A0, s4;
	s21 =	rddreg [dreg:$0x7];
	s12 =	sadd.s32 @!p3 $0x0, s12  }
0x65: {  	[tilespmem:s20], [sflag:$0x3] =	stream.linear.gather @!p3 [hbm4b:s12+s31], $0x800, $0x38;
	[tilespmem:$0x1D8A0] =	vst v63  }
0x66: {  	s4 =	sadd.s32 @!p3 $0x148A0, s4;
	s12 =	sadd.s32 @!p3 $0x0, s21  }
0x67: {  	[tilespmem:s4], [sflag:$0x3] =	stream.linear.gather @!p3 [hbm4b:s12+s31], $0x800, $0x38;
	[tilespmem:$0x1D8A0] =	vst v63  }
0x68: {  	_ =	swait.ge [sflag:s28], $0x2000  }
0x69: {  	[sflag:s28] =	ssyncset.done $0x0  }
0x6a: {  	s12 =	sadd.s32 $0x13B20, s3;
	[sflag:s28] =	ssyncadd.s32 $0xFFFFE000  }
0x6b: {  	[tilespmem:s24], [sflag:$0x1] =	stream.indirect.gather [spmem:s1], $0x40, s12, s23, $0xb8;
	[tilespmem:$0x1D8A0] =	vst v63  }
0x6c: {  	_ =	swait.ge [sflag:s25], $0x2000  }
0x6d: {  	s20 =	sor.u32 $0x200, s3;
	[sflag:s25] =	ssyncset.done $0x0  }
0x6e: {  	s4 =	sadd.s32 $0x148A0, s20;
	[sflag:s25] =	ssyncadd.s32 $0xFFFFE000  }
0x6f: {  	[spmem:s2] =	stream.indirect.scatter.add.f32 [tilespmem:s26], [sflag:$0x2], $0x40, s4, s23, $0xb8;
	[tilespmem:$0x1D8A0] =	vst v63  }
0x70: {  	_ =	swait.ge [sflag:s28], $0x2000  }
0x71: {  	[sflag:s28] =	ssyncset.done $0x0  }
0x72: {  	s21 =	sadd.s32 $0x13BA0, s3;
	[sflag:s28] =	ssyncadd.s32 $0xFFFFE000  }
0x73: {  	[tilespmem:s26], [sflag:$0x1] =	stream.indirect.gather [spmem:s1], $0x40, s21, s23, $0xb8;
	[tilespmem:$0x1D8A0] =	vst v63  }
0x74: {  	_ =	swait.ge [sflag:s25], $0x2000  }
0x75: {  	[sflag:s25] =	ssyncset.done $0x0  }
0x76: {  	s29 =	sadd.s32 $0x14B20, s3;
	[sflag:s25] =	ssyncadd.s32 $0xFFFFE000  }
0x77: {  	[spmem:s2] =	stream.indirect.scatter.add.f32 [tilespmem:s24], [sflag:$0x2], $0x40, s29, s23, $0xb8;
	[tilespmem:$0x1D8A0] =	vst v63  }
0x78: {  	_ =	swait.ge [sflag:s28], $0x2000  }
0x79: {  	[sflag:s28] =	ssyncset.done $0x0  }
0x7a: {  	s5 =	sadd.s32 $0x13C20, s3;
	[sflag:s28] =	ssyncadd.s32 $0xFFFFE000  }
0x7b: {  	[tilespmem:s24], [sflag:$0x1] =	stream.indirect.gather [spmem:s1], $0x40, s5, s23, $0xb8;
	[tilespmem:$0x1D8A0] =	vst v63  }
0x7c: {  	_ =	swait.ge [sflag:s25], $0x2000  }
0x7d: {  	[sflag:s25] =	ssyncset.done $0x0  }
0x7e: {  	s6 =	sadd.s32 $0x14BA0, s3;
	[sflag:s25] =	ssyncadd.s32 $0xFFFFE000  }
0x7f: {  	[spmem:s2] =	stream.indirect.scatter.add.f32 [tilespmem:s26], [sflag:$0x2], $0x40, s6, s23, $0xb8;
	[tilespmem:$0x1D8A0] =	vst v63  }
0x80: {  	_ =	swait.ge [sflag:s28], $0x2000  }
0x81: {  	[sflag:s28] =	ssyncset.done $0x0  }
0x82: {  	s7 =	sadd.s32 $0x13CA0, s3;
	[sflag:s28] =	ssyncadd.s32 $0xFFFFE000  }
0x83: {  	[tilespmem:s26], [sflag:$0x1] =	stream.indirect.gather [spmem:s1], $0x40, s7, s23, $0xb8;
	[tilespmem:$0x1D8A0] =	vst v63  }
0x84: {  	_ =	swait.ge [sflag:s25], $0x2000  }
0x85: {  	[sflag:s25] =	ssyncset.done $0x0  }
0x86: {  	s9 =	sadd.s32 $0x14C20, s3;
	[sflag:s25] =	ssyncadd.s32 $0xFFFFE000  }
0x87: {  	[spmem:s2] =	stream.indirect.scatter.add.f32 [tilespmem:s24], [sflag:$0x2], $0x40, s9, s23, $0xb8;
	[tilespmem:$0x1D8A0] =	vst v63  }
0x88: {  	_ =	swait.ge [sflag:s28], $0x2000  }
0x89: {  	[sflag:s28] =	ssyncset.done $0x0  }
0x8a: {  	s12 =	sadd.s32 $0x13D20, s3;
	[sflag:s28] =	ssyncadd.s32 $0xFFFFE000  }
0x8b: {  	[tilespmem:s24], [sflag:$0x1] =	stream.indirect.gather [spmem:s1], $0x40, s12, s23, $0xb8;
	[tilespmem:$0x1D8A0] =	vst v63  }
0x8c: {  	_ =	swait.ge [sflag:s25], $0x2000  }
0x8d: {  	[sflag:s25] =	ssyncset.done $0x0  }
0x8e: {  	s20 =	sadd.s32 $0x14CA0, s3;
	[sflag:s25] =	ssyncadd.s32 $0xFFFFE000  }
0x8f: {  	[spmem:s2] =	stream.indirect.scatter.add.f32 [tilespmem:s26], [sflag:$0x2], $0x40, s20, s23, $0xb8;
	[tilespmem:$0x1D8A0] =	vst v63  }
0x90: {  	_ =	swait.ge [sflag:s28], $0x2000  }
0x91: {  	[sflag:s28] =	ssyncset.done $0x0  }
0x92: {  	s21 =	sadd.s32 $0x13DA0, s3;
	[sflag:s28] =	ssyncadd.s32 $0xFFFFE000  }
0x93: {  	[tilespmem:s26], [sflag:$0x1] =	stream.indirect.gather [spmem:s1], $0x40, s21, s23, $0xb8;
	[tilespmem:$0x1D8A0] =	vst v63  }
0x94: {  	_ =	swait.ge [sflag:s25], $0x2000  }
0x95: {  	[sflag:s25] =	ssyncset.done $0x0  }
0x96: {  	s29 =	sadd.s32 $0x14D20, s3;
	[sflag:s25] =	ssyncadd.s32 $0xFFFFE000  }
0x97: {  	[spmem:s2] =	stream.indirect.scatter.add.f32 [tilespmem:s24], [sflag:$0x2], $0x40, s29, s23, $0xb8;
	[tilespmem:$0x1D8A0] =	vst v63  }
0x98: {  	_ =	swait.ge [sflag:s28], $0x2000  }
0x99: {  	[sflag:s28] =	ssyncset.done $0x0  }
0x9a: {  	s5 =	sadd.s32 $0x13E20, s3;
	[sflag:s28] =	ssyncadd.s32 $0xFFFFE000  }
0x9b: {  	[tilespmem:s24], [sflag:$0x1] =	stream.indirect.gather [spmem:s1], $0x40, s5, s23, $0xb8;
	[tilespmem:$0x1D8A0] =	vst v63  }
0x9c: {  	_ =	swait.ge [sflag:s25], $0x2000  }
0x9d: {  	[sflag:s25] =	ssyncset.done $0x0  }
0x9e: {  	s6 =	sadd.s32 $0x14DA0, s3;
	[sflag:s25] =	ssyncadd.s32 $0xFFFFE000  }
0x9f: {  	[spmem:s2] =	stream.indirect.scatter.add.f32 [tilespmem:s26], [sflag:$0x2], $0x40, s6, s23, $0xb8;
	[tilespmem:$0x1D8A0] =	vst v63  }
0xa0: {  	_ =	swait.ge [sflag:s28], $0x2000  }
0xa1: {  	[sflag:s28] =	ssyncset.done $0x0  }
0xa2: {  	s7 =	sadd.s32 $0x13EA0, s3;
	[sflag:s28] =	ssyncadd.s32 $0xFFFFE000  }
0xa3: {  	[tilespmem:s26], [sflag:$0x1] =	stream.indirect.gather [spmem:s1], $0x40, s7, s23, $0xb8;
	[tilespmem:$0x1D8A0] =	vst v63  }
0xa4: {  	_ =	swait.ge [sflag:s25], $0x2000  }
0xa5: {  	[sflag:s25] =	ssyncset.done $0x0  }
0xa6: {  	s9 =	sadd.s32 $0x14E20, s3;
	[sflag:s25] =	ssyncadd.s32 $0xFFFFE000  }
0xa7: {  	[spmem:s2] =	stream.indirect.scatter.add.f32 [tilespmem:s24], [sflag:$0x2], $0x40, s9, s23, $0xb8;
	[tilespmem:$0x1D8A0] =	vst v63  }
0xa8: {  	_ =	swait.ge [sflag:s28], $0x2000  }
0xa9: {  	[sflag:s28] =	ssyncset.done $0x0  }
0xaa: {  	s12 =	sadd.s32 $0x13F20, s3;
	[sflag:s28] =	ssyncadd.s32 $0xFFFFE000  }
0xab: {  	[tilespmem:s24], [sflag:$0x1] =	stream.indirect.gather [spmem:s1], $0x40, s12, s23, $0xb8;
	[tilespmem:$0x1D8A0] =	vst v63  }
0xac: {  	_ =	swait.ge [sflag:s25], $0x2000  }
0xad: {  	[sflag:s25] =	ssyncset.done $0x0  }
0xae: {  	s20 =	sadd.s32 $0x14EA0, s3;
	[sflag:s25] =	ssyncadd.s32 $0xFFFFE000  }
0xaf: {  	[spmem:s2] =	stream.indirect.scatter.add.f32 [tilespmem:s26], [sflag:$0x2], $0x40, s20, s23, $0xb8;
	[tilespmem:$0x1D8A0] =	vst v63  }
0xb0: {  	_ =	swait.ge [sflag:s28], $0x2000  }
0xb1: {  	[sflag:s28] =	ssyncset.done $0x0  }
0xb2: {  	s21 =	sadd.s32 $0x13FA0, s3;
	[sflag:s28] =	ssyncadd.s32 $0xFFFFE000  }
0xb3: {  	[tilespmem:s26], [sflag:$0x1] =	stream.indirect.gather [spmem:s1], $0x40, s21, s23, $0xb8;
	[tilespmem:$0x1D8A0] =	vst v63  }
0xb4: {  	_ =	swait.ge [sflag:s25], $0x2000  }
0xb5: {  	[sflag:s25] =	ssyncset.done $0x0  }
0xb6: {  	s29 =	sadd.s32 $0x14F20, s3;
	[sflag:s25] =	ssyncadd.s32 $0xFFFFE000  }
0xb7: {  	[spmem:s2] =	stream.indirect.scatter.add.f32 [tilespmem:s24], [sflag:$0x2], $0x40, s29, s23, $0xb8;
	[tilespmem:$0x1D8A0] =	vst v63  }
0xb8: {  	_ =	swait.ge [sflag:s28], $0x2000  }
0xb9: {  	s0 =	simm.s32 @!p1 $0x138A0;
	[sflag:s28] =	ssyncset.done $0x0  }
0xba: {  	s0 =	sadd.s32 $0x780, s0;
	[sflag:s28] =	ssyncadd.s32 $0xFFFFE000  }
0xbb: {  	[tilespmem:s24], [sflag:$0x1] =	stream.indirect.gather [spmem:s1], $0x40, s0, s23, $0xb8;
	[tilespmem:$0x1D8A0] =	vst v63  }
0xbc: {  	p1 =	por p2, p2;
	_ =	swait.ge [sflag:s25], $0x2000  }
0xbd: {  	s31 =	simm.s32 $0x100;
	s4 =	sadd.s32 $0x14FA0, s3;
	[sflag:s25] =	ssyncset.done $0x0  }
0xbe: {  	s3 =	simm.s32 $0x800;
	s0 =	simm.s32 $0x2;
	[sflag:s25] =	ssyncadd.s32 $0xFFFFE000  }
.LBB2_3:
0xbf: {  	[spmem:s2] =	stream.indirect.scatter.add.f32 [tilespmem:s26], [sflag:$0x2], $0x40, s4, s23, $0xb8;
	[tilespmem:$0x1D8A0] =	vst v63  }
0xc0: {  	_ =	swait.ge [sflag:s22], $0x800  }
0xc1: {  	[sflag:s22] =	ssyncset.done $0x0  }
0xc2: {  	[sflag:s22] =	ssyncadd.s32 $0xFFFFF800  }
0xc3: {  	s20 =	smov.u32 s31;
	_ =	swait.ge [sflag:s22], $0x800  }
0xc4: {  	p4 =	sne.s32 s20, $0x0;
	[sflag:s22] =	ssyncset.done $0x0  }
0xc5: {  	s29 =	simm.s32 @p4 $0x2;
	[sflag:s22] =	ssyncadd.s32 $0xFFFFF800  }
0xc6: {  	s12 =	sand.u32 @p4 $0x800, s3;
	_ =	swait.ge @p4 [sflag:s29], $0x2000  }
0xc7: {  	s6 =	simm.s32 @p4 $0x1;
	s7 =	simm.s32 @p4 $0x80;
	[sflag:s29] =	ssyncset.done @p4 $0x0  }
0xc8: {  	s9 =	simm.s32 @p4 $0x158A0;
	s4 =	sadd.s32 @p4 $0x138A0, s12;
	[sflag:s29] =	ssyncadd.s32 @p4 $0xFFFFE000  }
0xc9: {  	[tilespmem:s9], [sflag:$0x1] =	stream.indirect.gather @p4 [spmem:s1], $0x40, s4, s7, $0xb8;
	[tilespmem:$0x1D8A0] =	vst v63  }
0xca: {  	s21 =	sand.u32 $0x1, s0;
	_ =	swait.ge @p4 [sflag:s6], $0x2000  }
0xcb: {  	s5 =	sshll.u32 @p4 s21, $0xB;
	[sflag:s6] =	ssyncset.done @p4 $0x0  }
0xcc: {  	s5 =	sor.u32 @p4 $0x15020, s5;
	[sflag:s6] =	ssyncadd.s32 @p4 $0xFFFFE000;
	s6 =	simm.s32 @p4 $0x198A0  }
0xcd: {  	[spmem:s2] =	stream.indirect.scatter.add.f32 @p4 [tilespmem:s6], [sflag:$0x2], $0x40, s5, s7, $0xb8;
	[tilespmem:$0x1D8A0] =	vst v63  }
0xce: {  	_ =	swait.ge @p4 [sflag:s29], $0x2000  }
0xcf: {  	s12 =	simm.s32 @!p4 $0x0;
	s5 =	simm.s32 @!p4 $0x158A0;
	[sflag:s29] =	ssyncset.done @p4 $0x0  }
0xd0: {  	s6 =	simm.s32 @!p4 $0x80;
	s7 =	simm.s32 @!p4 $0x138A0;
	[sflag:s29] =	ssyncadd.s32 @p4 $0xFFFFE000  }
0xd1: {  	[tilespmem:s5], [sflag:$0x1] =	stream.indirect.gather @!p4 [spmem:s1], $0x40, s7, s6, $0xb8;
	[tilespmem:$0x1D8A0] =	vst v63  }
0xd2: {  	s29 =	sadd.s32 $0x13920, s12  }
0xd3: {  	[tilespmem:s24], [sflag:$0x1] =	stream.indirect.gather [spmem:s1], $0x40, s29, s23, $0xb8;
	[tilespmem:$0x1D8A0] =	vst v63  }
0xd4: {  	_ =	swait.ge [sflag:s25], $0x2000  }
0xd5: {  	[sflag:s25] =	ssyncset.done $0x0  }
0xd6: {  	s6 =	sadd.s32 $0x148A0, s12;
	[sflag:s25] =	ssyncadd.s32 $0xFFFFE000  }
0xd7: {  	[spmem:s2] =	stream.indirect.scatter.add.f32 [tilespmem:s26], [sflag:$0x2], $0x40, s6, s23, $0xb8;
	[tilespmem:$0x1D8A0] =	vst v63  }
0xd8: {  	_ =	swait.ge [sflag:s28], $0x2000  }
0xd9: {  	[sflag:s28] =	ssyncset.done $0x0  }
0xda: {  	s7 =	sadd.s32 $0x139A0, s12;
	[sflag:s28] =	ssyncadd.s32 $0xFFFFE000  }
0xdb: {  	[tilespmem:s26], [sflag:$0x1] =	stream.indirect.gather [spmem:s1], $0x40, s7, s23, $0xb8;
	[tilespmem:$0x1D8A0] =	vst v63  }
0xdc: {  	_ =	swait.ge [sflag:s25], $0x2000  }
0xdd: {  	[sflag:s25] =	ssyncset.done $0x0  }
0xde: {  	s9 =	sadd.s32 $0x14920, s12;
	[sflag:s25] =	ssyncadd.s32 $0xFFFFE000  }
0xdf: {  	[spmem:s2] =	stream.indirect.scatter.add.f32 [tilespmem:s24], [sflag:$0x2], $0x40, s9, s23, $0xb8;
	[tilespmem:$0x1D8A0] =	vst v63  }
0xe0: {  	_ =	swait.ge [sflag:s28], $0x2000  }
0xe1: {  	[sflag:s28] =	ssyncset.done $0x0  }
0xe2: {  	s29 =	sadd.s32 $0x13A20, s12;
	[sflag:s28] =	ssyncadd.s32 $0xFFFFE000  }
0xe3: {  	[tilespmem:s24], [sflag:$0x1] =	stream.indirect.gather [spmem:s1], $0x40, s29, s23, $0xb8;
	[tilespmem:$0x1D8A0] =	vst v63  }
0xe4: {  	_ =	swait.ge [sflag:s25], $0x2000  }
0xe5: {  	[sflag:s25] =	ssyncset.done $0x0  }
0xe6: {  	s6 =	sadd.s32 $0x149A0, s12;
	[sflag:s25] =	ssyncadd.s32 $0xFFFFE000  }
0xe7: {  	[spmem:s2] =	stream.indirect.scatter.add.f32 [tilespmem:s26], [sflag:$0x2], $0x40, s6, s23, $0xb8;
	[tilespmem:$0x1D8A0] =	vst v63  }
0xe8: {  	_ =	swait.ge [sflag:s28], $0x2000  }
0xe9: {  	[sflag:s28] =	ssyncset.done $0x0  }
0xea: {  	s7 =	sadd.s32 $0x13AA0, s12;
	[sflag:s28] =	ssyncadd.s32 $0xFFFFE000  }
0xeb: {  	[tilespmem:s26], [sflag:$0x1] =	stream.indirect.gather [spmem:s1], $0x40, s7, s23, $0xb8;
	[tilespmem:$0x1D8A0] =	vst v63  }
0xec: {  	p3 =	seq.s32 s20, $0x900;
	_ =	swait.ge [sflag:s25], $0x2000  }
0xed: {  	s21 =	sshll.u32 @!p3 s21, $0xB;
	s9 =	sadd.s32 $0x14A20, s12;
	[sflag:s25] =	ssyncset.done $0x0  }
0xee: {  	s6 =	sadd.s32 @!p3 $0x138A0, s21;
	s5 =	rddreg [dreg:$0x6];
	[sflag:s25] =	ssyncadd.s32 $0xFFFFE000  }
0xef: {  	[spmem:s2] =	stream.indirect.scatter.add.f32 [tilespmem:s24], [sflag:$0x2], $0x40, s9, s23, $0xb8;
	[tilespmem:$0x1D8A0] =	vst v63  }
0xf0: {  	s7 =	rddreg [dreg:$0x7];
	s5 =	sadd.s32 @!p3 s20, s5;
	s9 =	simm.s32 @!p3 $0x0  }
0xf1: {  	[tilespmem:s6], [sflag:$0x3] =	stream.linear.gather @!p3 [hbm4b:s5+s9], $0x800, $0x38;
	[tilespmem:$0x1D8A0] =	vst v63  }
0xf2: {  	s5 =	sadd.s32 @!p3 $0x148A0, s21;
	s6 =	sadd.s32 @!p3 s20, s7  }
0xf3: {  	[tilespmem:s5], [sflag:$0x3] =	stream.linear.gather @!p3 [hbm4b:s6+s9], $0x800, $0x38;
	[tilespmem:$0x1D8A0] =	vst v63  }
0xf4: {  	_ =	swait.ge [sflag:s28], $0x2000  }
0xf5: {  	[sflag:s28] =	ssyncset.done $0x0  }
0xf6: {  	s21 =	sadd.s32 $0x13B20, s12;
	[sflag:s28] =	ssyncadd.s32 $0xFFFFE000  }
0xf7: {  	[tilespmem:s24], [sflag:$0x1] =	stream.indirect.gather [spmem:s1], $0x40, s21, s23, $0xb8;
	[tilespmem:$0x1D8A0] =	vst v63  }
0xf8: {  	_ =	swait.ge [sflag:s25], $0x2000  }
0xf9: {  	s29 =	sor.u32 $0x200, s12;
	[sflag:s25] =	ssyncset.done $0x0  }
0xfa: {  	s5 =	sadd.s32 $0x148A0, s29;
	[sflag:s25] =	ssyncadd.s32 $0xFFFFE000  }
0xfb: {  	[spmem:s2] =	stream.indirect.scatter.add.f32 [tilespmem:s26], [sflag:$0x2], $0x40, s5, s23, $0xb8;
	[tilespmem:$0x1D8A0] =	vst v63  }
0xfc: {  	_ =	swait.ge [sflag:s28], $0x2000  }
0xfd: {  	[sflag:s28] =	ssyncset.done $0x0  }
0xfe: {  	s6 =	sadd.s32 $0x13BA0, s12;
	[sflag:s28] =	ssyncadd.s32 $0xFFFFE000  }
0xff: {  	[tilespmem:s26], [sflag:$0x1] =	stream.indirect.gather [spmem:s1], $0x40, s6, s23, $0xb8;
	[tilespmem:$0x1D8A0] =	vst v63  }
0x100: {  	_ =	swait.ge [sflag:s25], $0x2000  }
0x101: {  	[sflag:s25] =	ssyncset.done $0x0  }
0x102: {  	s7 =	sadd.s32 $0x14B20, s12;
	[sflag:s25] =	ssyncadd.s32 $0xFFFFE000  }
0x103: {  	[spmem:s2] =	stream.indirect.scatter.add.f32 [tilespmem:s24], [sflag:$0x2], $0x40, s7, s23, $0xb8;
	[tilespmem:$0x1D8A0] =	vst v63  }
0x104: {  	_ =	swait.ge [sflag:s28], $0x2000  }
0x105: {  	[sflag:s28] =	ssyncset.done $0x0  }
0x106: {  	s9 =	sadd.s32 $0x13C20, s12;
	[sflag:s28] =	ssyncadd.s32 $0xFFFFE000  }
0x107: {  	[tilespmem:s24], [sflag:$0x1] =	stream.indirect.gather [spmem:s1], $0x40, s9, s23, $0xb8;
	[tilespmem:$0x1D8A0] =	vst v63  }
0x108: {  	_ =	swait.ge [sflag:s25], $0x2000  }
0x109: {  	[sflag:s25] =	ssyncset.done $0x0  }
0x10a: {  	s20 =	sadd.s32 $0x14BA0, s12;
	[sflag:s25] =	ssyncadd.s32 $0xFFFFE000  }
0x10b: {  	[spmem:s2] =	stream.indirect.scatter.add.f32 [tilespmem:s26], [sflag:$0x2], $0x40, s20, s23, $0xb8;
	[tilespmem:$0x1D8A0] =	vst v63  }
0x10c: {  	_ =	swait.ge [sflag:s28], $0x2000  }
0x10d: {  	[sflag:s28] =	ssyncset.done $0x0  }
0x10e: {  	s21 =	sadd.s32 $0x13CA0, s12;
	[sflag:s28] =	ssyncadd.s32 $0xFFFFE000  }
0x10f: {  	[tilespmem:s26], [sflag:$0x1] =	stream.indirect.gather [spmem:s1], $0x40, s21, s23, $0xb8;
	[tilespmem:$0x1D8A0] =	vst v63  }
0x110: {  	_ =	swait.ge [sflag:s25], $0x2000  }
0x111: {  	[sflag:s25] =	ssyncset.done $0x0  }
0x112: {  	s29 =	sadd.s32 $0x14C20, s12;
	[sflag:s25] =	ssyncadd.s32 $0xFFFFE000  }
0x113: {  	[spmem:s2] =	stream.indirect.scatter.add.f32 [tilespmem:s24], [sflag:$0x2], $0x40, s29, s23, $0xb8;
	[tilespmem:$0x1D8A0] =	vst v63  }
0x114: {  	_ =	swait.ge [sflag:s28], $0x2000  }
0x115: {  	[sflag:s28] =	ssyncset.done $0x0  }
0x116: {  	s6 =	sadd.s32 $0x13D20, s12;
	[sflag:s28] =	ssyncadd.s32 $0xFFFFE000  }
0x117: {  	[tilespmem:s24], [sflag:$0x1] =	stream.indirect.gather [spmem:s1], $0x40, s6, s23, $0xb8;
	[tilespmem:$0x1D8A0] =	vst v63  }
0x118: {  	_ =	swait.ge [sflag:s25], $0x2000  }
0x119: {  	[sflag:s25] =	ssyncset.done $0x0  }
0x11a: {  	s7 =	sadd.s32 $0x14CA0, s12;
	[sflag:s25] =	ssyncadd.s32 $0xFFFFE000  }
0x11b: {  	[spmem:s2] =	stream.indirect.scatter.add.f32 [tilespmem:s26], [sflag:$0x2], $0x40, s7, s23, $0xb8;
	[tilespmem:$0x1D8A0] =	vst v63  }
0x11c: {  	_ =	swait.ge [sflag:s28], $0x2000  }
0x11d: {  	[sflag:s28] =	ssyncset.done $0x0  }
0x11e: {  	s9 =	sadd.s32 $0x13DA0, s12;
	[sflag:s28] =	ssyncadd.s32 $0xFFFFE000  }
0x11f: {  	[tilespmem:s26], [sflag:$0x1] =	stream.indirect.gather [spmem:s1], $0x40, s9, s23, $0xb8;
	[tilespmem:$0x1D8A0] =	vst v63  }
0x120: {  	_ =	swait.ge [sflag:s25], $0x2000  }
0x121: {  	[sflag:s25] =	ssyncset.done $0x0  }
0x122: {  	s20 =	sadd.s32 $0x14D20, s12;
	[sflag:s25] =	ssyncadd.s32 $0xFFFFE000  }
0x123: {  	[spmem:s2] =	stream.indirect.scatter.add.f32 [tilespmem:s24], [sflag:$0x2], $0x40, s20, s23, $0xb8;
	[tilespmem:$0x1D8A0] =	vst v63  }
0x124: {  	_ =	swait.ge [sflag:s28], $0x2000  }
0x125: {  	[sflag:s28] =	ssyncset.done $0x0  }
0x126: {  	s21 =	sadd.s32 $0x13E20, s12;
	[sflag:s28] =	ssyncadd.s32 $0xFFFFE000  }
0x127: {  	[tilespmem:s24], [sflag:$0x1] =	stream.indirect.gather [spmem:s1], $0x40, s21, s23, $0xb8;
	[tilespmem:$0x1D8A0] =	vst v63  }
0x128: {  	_ =	swait.ge [sflag:s25], $0x2000  }
0x129: {  	[sflag:s25] =	ssyncset.done $0x0  }
0x12a: {  	s29 =	sadd.s32 $0x14DA0, s12;
	[sflag:s25] =	ssyncadd.s32 $0xFFFFE000  }
0x12b: {  	[spmem:s2] =	stream.indirect.scatter.add.f32 [tilespmem:s26], [sflag:$0x2], $0x40, s29, s23, $0xb8;
	[tilespmem:$0x1D8A0] =	vst v63  }
0x12c: {  	_ =	swait.ge [sflag:s28], $0x2000  }
0x12d: {  	[sflag:s28] =	ssyncset.done $0x0  }
0x12e: {  	s6 =	sadd.s32 $0x13EA0, s12;
	[sflag:s28] =	ssyncadd.s32 $0xFFFFE000  }
0x12f: {  	[tilespmem:s26], [sflag:$0x1] =	stream.indirect.gather [spmem:s1], $0x40, s6, s23, $0xb8;
	[tilespmem:$0x1D8A0] =	vst v63  }
0x130: {  	_ =	swait.ge [sflag:s25], $0x2000  }
0x131: {  	[sflag:s25] =	ssyncset.done $0x0  }
0x132: {  	s7 =	sadd.s32 $0x14E20, s12;
	[sflag:s25] =	ssyncadd.s32 $0xFFFFE000  }
0x133: {  	[spmem:s2] =	stream.indirect.scatter.add.f32 [tilespmem:s24], [sflag:$0x2], $0x40, s7, s23, $0xb8;
	[tilespmem:$0x1D8A0] =	vst v63  }
0x134: {  	_ =	swait.ge [sflag:s28], $0x2000  }
0x135: {  	[sflag:s28] =	ssyncset.done $0x0  }
0x136: {  	s9 =	sadd.s32 $0x13F20, s12;
	[sflag:s28] =	ssyncadd.s32 $0xFFFFE000  }
0x137: {  	[tilespmem:s24], [sflag:$0x1] =	stream.indirect.gather [spmem:s1], $0x40, s9, s23, $0xb8;
	[tilespmem:$0x1D8A0] =	vst v63  }
0x138: {  	_ =	swait.ge [sflag:s25], $0x2000  }
0x139: {  	[sflag:s25] =	ssyncset.done $0x0  }
0x13a: {  	s20 =	sadd.s32 $0x14EA0, s12;
	[sflag:s25] =	ssyncadd.s32 $0xFFFFE000  }
0x13b: {  	[spmem:s2] =	stream.indirect.scatter.add.f32 [tilespmem:s26], [sflag:$0x2], $0x40, s20, s23, $0xb8;
	[tilespmem:$0x1D8A0] =	vst v63  }
0x13c: {  	_ =	swait.ge [sflag:s28], $0x2000  }
0x13d: {  	[sflag:s28] =	ssyncset.done $0x0  }
0x13e: {  	s21 =	sadd.s32 $0x13FA0, s12;
	[sflag:s28] =	ssyncadd.s32 $0xFFFFE000  }
0x13f: {  	[tilespmem:s26], [sflag:$0x1] =	stream.indirect.gather [spmem:s1], $0x40, s21, s23, $0xb8;
	[tilespmem:$0x1D8A0] =	vst v63  }
0x140: {  	_ =	swait.ge [sflag:s25], $0x2000  }
0x141: {  	[sflag:s25] =	ssyncset.done $0x0  }
0x142: {  	s29 =	sadd.s32 $0x14F20, s12;
	[sflag:s25] =	ssyncadd.s32 $0xFFFFE000  }
0x143: {  	[spmem:s2] =	stream.indirect.scatter.add.f32 [tilespmem:s24], [sflag:$0x2], $0x40, s29, s23, $0xb8;
	[tilespmem:$0x1D8A0] =	vst v63  }
0x144: {  	s31 =	sadd.s32 $0x100, s31;
	_ =	swait.ge [sflag:s28], $0x2000  }
0x145: {  	p2 =	sne.s32 s31, $0xA00;
	s4 =	simm.s32 @!p4 $0x138A0;
	[sflag:s28] =	ssyncset.done $0x0  }
.Ltmp0:
0x146: {  	s4 =	sadd.s32 $0x780, s4;
	[sflag:s28] =	ssyncadd.s32 $0xFFFFE000;
	(pc) =	sbr.rel @p2 .LBB2_3-.Ltmp0, $4  }
0x147: {  	[tilespmem:s24], [sflag:$0x1] =	stream.indirect.gather [spmem:s1], $0x40, s4, s23, $0xb8;
	[tilespmem:$0x1D8A0] =	vst v63  }
0x148: {  	_ =	swait.ge [sflag:s25], $0x2000  }
0x149: {  	s0 =	sadd.s32 $0x1, s0;
	[sflag:s25] =	ssyncset.done $0x0  }
0x14a: {  	s3 =	sadd.s32 $0x800, s3;
	s4 =	sadd.s32 $0x14FA0, s12;
	[sflag:s25] =	ssyncadd.s32 $0xFFFFE000  }
0x14b: {  	[spmem:s2] =	stream.indirect.scatter.add.f32 [tilespmem:s26], [sflag:$0x2], $0x40, s4, s23, $0xb8;
	[tilespmem:$0x1D8A0] =	vst v63  }
0x14c: {  	_ =	swait.ge [sflag:s25], $0x2000  }
0x14d: {  	[sflag:s25] =	ssyncset.done $0x0  }
0x14e: {  	s0 =	simm.s32 $0x15820;
	[sflag:s25] =	ssyncadd.s32 $0xFFFFE000  }
0x14f: {  	[spmem:s2] =	stream.indirect.scatter.add.f32 [tilespmem:s24], [sflag:$0x2], $0x40, s0, s23, $0xb8;
	[tilespmem:$0x1D8A0] =	vst v63  }
0x150: {  	_ =	swait.ge [sflag:s28], $0x2000  }
0x151: {  	[sflag:s28] =	ssyncset.done $0x0  }
0x152: {  	[sflag:s28] =	ssyncadd.s32 $0xFFFFE000  }
0x153: {  	_ =	swait.ge [sflag:s28], $0x2000  }
0x154: {  	[sflag:s28] =	ssyncset.done $0x0;
	s29 =	rddreg [dreg:$0xa]  }
0x155: {  	[sflag:s28] =	ssyncadd.s32 $0xFFFFE000;
	s0 =	sadd.s32 s29, s30  }
0x156: {  	s31 =	sshrl.u32 s11, $0x3;
	[bflag:$0x0] =	sbarrier.arrive $0xFFFF;
	s3 =	sadd.s32 s8, s0  }
0x157: {  	[hbm:s3], [sflag:s13] =	dma.local [spmem:s31], $0x2700  }
0x158: {  	_ =	swait.ge [sflag:s15], $0x2700  }
0x159: {  	[sflag:s15] =	ssyncset.done $0x0  }
0x15a: {  	s0 =	sadd.s32 @!p0 $0x27000, s0;
	[sflag:s15] =	ssyncadd.s32 $0xFFFFD900  }
0x15b: {  	[hbm:s0], [sflag:s13] =	dma.local @!p0 [spmem:s19], $0x100  }
0x15c: {  	s0 =	simm.s32 @!p0 $0x4  }
.Ltmp1:
0x15d: {  	_ =	swait.ge @!p0 [sflag:s0], $0x100;
	(pc) =	sbr.rel @p1 .LBB2_2-.Ltmp1, $4  }
0x15e: {  	[sflag:s0] =	ssyncset.done @!p0 $0x0  }
0x15f: {  	[sflag:s0] =	ssyncadd.s32 @!p0 $0xFFFFFF00  }
0x160: {  	[bflag:$0x0] =	sbarrier.arrive $0xFFFF  }
0x161: {  	p2 =	por $0x0, $0x0;
	s0 =	simm.s32 $0x1  }
0x162: {  	s6 =	rddreg [dreg:$0x8]  }
0x163: {  	s0 =	rddreg [dreg:$0xc];
	s6 =	sadd.s32 $0x1, s6  }
0x164: {  	p1 =	sne.s32 s6, s0  }
.Ltmp2:
0x165: {  	_ = 	snop;
	(pc) =	sbr.rel @p1 .LBB2_1-.Ltmp2, $1  }
0x166: {  	_ =	sdelay $0x3  }
0x167: {  	_ =	sfence.sel $0x180000  }
0x168: {  	[bflag:$0x0] =	sbarrier.arrive $0xFFFF  }
0x169: {  	_ =	strace $0x90000047  }
0x16a: {  	s0 =	stileid.u32;
	[bflag:$0x2] =	sbarrier.arrive $0xFFFF  }
0x16b: {  	p0 =	sne.s32 s0, $0x0;
	s0 =	rddreg [dreg:$0x5]  }
0x16c: {  	s0 =	sadd.s32 @!p0 $0x100000, s0  }
0x16d: {  	[sflag:s0] =	ssyncadd.tile.s32 @!p0 $0x1;
	_ =	shalt  }
.Lfunc_end2:
_tile_overlayer_lowered:
.L_overlay_start_2:
0x16e: {  	(tag) =	ssettag $0x2  }
0x16f: {  	s0 =	rddreg [dreg:$0x0];
	s2 =	stileid.u32  }
0x170: {  	s1 =	rddreg [dreg:$0x1];
	p0 =	sne.s32 s2, $0x0  }
0x171: {  	s3 =	rddreg [dreg:$0x2];
	[bflag:$0x3] =	sbarrier.arrive $0xFFFF;
	s2 =	simm.s32 @!p0 $0x1C04  }
0x172: {  	[timem:s3], [sflag:s2] =	dma.local @!p0 [hbm:s0], s1  }
0x173: {  	s0 =	simm.s32 @!p0 $0x4  }
0x174: {  	_ =	swait.ge @!p0 [sflag:s0], s1  }
0x175: {  	s1 =	ssub.s32 @!p0 $0x0, s1;
	[sflag:s0] =	ssyncset.done @!p0 $0x0  }
0x176: {  	[sflag:s0] =	ssyncadd.s32 @!p0 s1  }
0x177: {  	[bflag:$0x3] =	sbarrier.arrive $0xFFFF  }
0x178: {  	_ =	shalt  }

</sc_bundles>
